<compile_context>
chip_gen: v7x
topology: tpu7x:2x2x1
jax: 0.10.2.dev20260603
libtpu: 0.0.44.dev20260713+nightly
codegen_flags: <defaults>
</compile_context>

<pallas_src>
import functools

import jax
import jax.numpy as jnp
from jax import lax
from jax.experimental import pallas as pl
from jax.experimental.pallas import tpu as pltpu
from jax.experimental.pallas import tpu_sc as plsc

EMB = 512
EMBW = EMB // 2
NEG_SLOPE = 0.2


@functools.lru_cache(maxsize=None)
def _make_sc_gather(V, D, B):
    info = plsc.get_sparse_core_info()
    NC, NS = info.num_cores, info.num_subcores
    NW = NC * NS
    assert B % (8 * NW) == 0
    b_per_w = B // NW
    CH = 128
    assert b_per_w % (2 * CH) == 0
    n_ch = b_per_w // CH
    mesh = plsc.VectorSubcoreMesh(core_axis_name="c", subcore_axis_name="s")

    @functools.partial(
        pl.kernel,
        out_type=jax.ShapeDtypeStruct((B, D), jnp.int32),
        mesh=mesh,
        scratch_types=[
            pltpu.VMEM((b_per_w,), jnp.int32),
            pltpu.VMEM((CH, D), jnp.int32),
            pltpu.VMEM((CH, D), jnp.int32),
            pltpu.SemaphoreType.DMA,
            pltpu.SemaphoreType.DMA,
        ],
    )
    def gather_kernel(table_hbm, idx_hbm, out_hbm, idx_v, rows0, rows1,
                      sem0, sem1):
        wid = lax.axis_index("s") * NC + lax.axis_index("c")
        base = wid * b_per_w
        bufs = (rows0, rows1)
        sems = (sem0, sem1)
        pltpu.sync_copy(idx_hbm.at[pl.ds(base, b_per_w)], idx_v)

        def start(ci, b):
            pltpu.make_async_copy(
                table_hbm.at[idx_v.at[pl.ds(ci * CH, CH)]], bufs[b], sems[b]
            ).start()

        start(0, 0)
        start(1, 1)

        def body(g, carry):
            for b in range(2):
                ci = g + b
                pltpu.make_async_copy(
                    table_hbm.at[idx_v.at[pl.ds(ci * CH, CH)]],
                    bufs[b], sems[b]
                ).wait()
                pltpu.sync_copy(bufs[b], out_hbm.at[pl.ds(base + ci * CH, CH)])

                @pl.when(ci + 2 < n_ch)
                def _():
                    start(ci + 2, b)
            return carry

        lax.fori_loop(0, n_ch // 2, lambda g, c: body(g * 2, c), 0)

    return gather_kernel


def _halves(x_i32):
    lo = lax.bitcast_convert_type(x_i32 << 16, jnp.float32)
    hi = lax.bitcast_convert_type(x_i32 & jnp.int32(-65536), jnp.float32)
    return lo.astype(jnp.bfloat16), hi.astype(jnp.bfloat16)


def _mlp_body(x_ref, h_ref, hf_ref, nf_ref, w0_ref, w1e_ref, w1o_ref,
              w2e_ref, w2o_ref, nwb_ref, hw0_ref, hw1_ref, hwb_ref,
              acc_in_ref, out_ref, acc_ref, *, nb, final):
    i = pl.program_id(0)
    h = h_ref[pl.ds(x_ref[0] % 8, 1), :]
    dn = (((1,), (1,)), ((), ()))
    c = lax.dot_general(h, w0_ref[...], dn,
                        preferred_element_type=jnp.float32) + nwb_ref[...]
    hf_lo, hf_hi = _halves(hf_ref[...])
    nf_lo, nf_hi = _halves(nf_ref[...])
    z = lax.dot_general(hf_lo, w1e_ref[...], dn,
                        preferred_element_type=jnp.float32)
    z = z + lax.dot_general(hf_hi, w1o_ref[...], dn,
                            preferred_element_type=jnp.float32)
    z = z + lax.dot_general(nf_lo, w2e_ref[...], dn,
                            preferred_element_type=jnp.float32)
    z = z + lax.dot_general(nf_hi, w2o_ref[...], dn,
                            preferred_element_type=jnp.float32)
    z = z + c
    zl = jnp.where(z >= 0, z, NEG_SLOPE * z)
    part = jnp.sum(zl, axis=0, keepdims=True)

    @pl.when(i == 0)
    def _():
        acc_ref[...] = part + acc_in_ref[...]

    @pl.when(i > 0)
    def _():
        acc_ref[...] = acc_ref[...] + part

    @pl.when(i == nb - 1)
    def _():
        if final:
            nbf = acc_ref[...]
            r = lax.dot_general(h, hw0_ref[...], dn,
                                preferred_element_type=jnp.float32)
            r = r + lax.dot_general(nbf, hw1_ref[...], dn,
                                    preferred_element_type=jnp.float32)
            r = r + hwb_ref[...]
            out_ref[...] = jnp.where(r >= 0, r, NEG_SLOPE * r)
        else:
            out_ref[...] = acc_ref[...]


def _mlp_sum(xarr, f, g, w0, w1e, w1o, w2e, w2o, nwb, hw0, hw1, hwb, acc_in,
             *, e, be, final):
    nb = e // be
    wspec = pl.BlockSpec((EMB, EMBW), lambda i, xr: (0, 0))
    grid_spec = pltpu.PrefetchScalarGridSpec(
        num_scalar_prefetch=1,
        grid=(nb,),
        in_specs=[
            pl.BlockSpec((8, EMB), lambda i, xr: (xr[0] // 8, 0)),
            pl.BlockSpec((be, EMBW), lambda i, xr: (i, 0)),
            pl.BlockSpec((be, EMBW), lambda i, xr: (nb + i, 0)),
            pl.BlockSpec((EMB, EMB), lambda i, xr: (0, 0)),
            wspec, wspec, wspec, wspec,
            pl.BlockSpec((1, EMB), lambda i, xr: (0, 0)),
            pl.BlockSpec((EMB, EMB), lambda i, xr: (0, 0)),
            pl.BlockSpec((EMB, EMB), lambda i, xr: (0, 0)),
            pl.BlockSpec((1, EMB), lambda i, xr: (0, 0)),
            pl.BlockSpec((1, EMB), lambda i, xr: (0, 0)),
        ],
        out_specs=pl.BlockSpec((1, EMB), lambda i, xr: (0, 0)),
        scratch_shapes=[pltpu.VMEM((1, EMB), jnp.float32)],
    )
    return pl.pallas_call(
        functools.partial(_mlp_body, nb=nb, final=final),
        grid_spec=grid_spec,
        out_shape=jax.ShapeDtypeStruct((1, EMB), jnp.float32),
        compiler_params=pltpu.CompilerParams(
            dimension_semantics=("arbitrary",),
        ),
    )(xarr, f, g, g, w0, w1e, w1o, w2e, w2o, nwb, hw0, hw1, hwb, acc_in)


def kernel(x, f, p_idx, o_idx, nw_w, nw_b, hw_w, hw_b):
    e = p_idx.shape[0]
    n_split = 2
    es = e // n_split

    xarr = jnp.reshape(x, (1,)).astype(jnp.int32)
    fbf = f.astype(jnp.bfloat16)
    fpack = lax.bitcast_convert_type(
        fbf.reshape(f.shape[0], EMBW, 2), jnp.int32)

    w0 = nw_w[:, :EMB]
    w1 = nw_w[:, EMB:2 * EMB]
    w2 = nw_w[:, 2 * EMB:]
    w1e = w1[:, 0::2].astype(jnp.bfloat16)
    w1o = w1[:, 1::2].astype(jnp.bfloat16)
    w2e = w2[:, 0::2].astype(jnp.bfloat16)
    w2o = w2[:, 1::2].astype(jnp.bfloat16)
    hw0 = hw_w[:, :EMB]
    hw1 = hw_w[:, EMB:]
    nwb = jnp.reshape(nw_b, (1, EMB))
    hwb = jnp.reshape(hw_b, (1, EMB))

    p32 = p_idx.astype(jnp.int32)
    o32 = o_idx.astype(jnp.int32)
    gather = _make_sc_gather(f.shape[0], EMBW, 2 * es)

    gs = [gather(fpack, jnp.concatenate(
        [p32[s * es:(s + 1) * es], o32[s * es:(s + 1) * es]], axis=0))
        for s in range(n_split)]

    acc = jnp.zeros((1, EMB), jnp.float32)
    for s in range(n_split):
        acc = _mlp_sum(xarr, f, gs[s], w0, w1e, w1o, w2e, w2o, nwb,
                       hw0, hw1, hwb, acc,
                       e=es, be=2048, final=(s == n_split - 1))
    return acc

# --- scband reference (transcript-rebuilt; emitter-appended) ---
"""Pipeline reference for scband-gnn-13769665151468 (READ-ONLY COPY).

The authoritative reference and input builder live on the scoring server;
editing this copy changes nothing except your own understanding.
"""

import jax, jax.numpy as jnp
import numpy as np

N_NODES = 50000
EMB = 512
E = 32768


def setup_inputs(seed: int = 0) -> dict:
    key = jax.random.key(seed)
    k1, k2, k3, k4, k5, k6, k7 = jax.random.split(key, 7)
    f = jax.random.normal(k1, (N_NODES, EMB), dtype=jnp.float32)
    p_idx = jax.random.randint(k2, (E,), 0, N_NODES, dtype=jnp.int64) if jax.config.read('jax_enable_x64') else jax.random.randint(k2, (E,), 0, N_NODES, dtype=jnp.int32)
    o_idx = jax.random.randint(k3, (E,), 0, N_NODES, dtype=jnp.int32)
    x = 12345
    s_nw = 1.0 / np.sqrt(3 * EMB)
    s_hw = 1.0 / np.sqrt(2 * EMB)
    nw_w = jax.random.uniform(k4, (EMB, 3 * EMB), minval=-s_nw, maxval=s_nw, dtype=jnp.float32)
    nw_b = jax.random.uniform(k5, (EMB,), minval=-s_nw, maxval=s_nw, dtype=jnp.float32)
    hw_w = jax.random.uniform(k6, (EMB, 2 * EMB), minval=-s_hw, maxval=s_hw, dtype=jnp.float32)
    hw_b = jax.random.uniform(k7, (EMB,), minval=-s_hw, maxval=s_hw, dtype=jnp.float32)
    return {"x": x, "f": f, "p_idx": p_idx, "o_idx": o_idx,
            "nw_w": nw_w, "nw_b": nw_b, "hw_w": hw_w, "hw_b": hw_b}


def reference(x, f, p_idx, o_idx, nw_w, nw_b, hw_w, hw_b):
    # h = f[x]  (original: dict lookup returning [1, emb])
    h = f[x][None, :]                                  # [1, EMB]
    # neighborhood gathers: hf = f[p], nf = f[o] for each triple (x, p, o)
    hf = jnp.take(f, p_idx, axis=0)                    # [E, EMB]
    nf = jnp.take(f, o_idx, axis=0)                    # [E, EMB]
    h_rep = jnp.broadcast_to(h, hf.shape)              # [E, EMB]
    nb = jnp.concatenate([h_rep, hf, nf], axis=1)      # [E, 3*EMB]
    nbf = jax.nn.leaky_relu(nb @ nw_w.T + nw_b, negative_slope=0.2)
    nbf = jnp.sum(nbf, axis=0, keepdims=True)          # [1, EMB]
    res = jnp.concatenate([h, nbf], axis=1)            # [1, 2*EMB]
    fh = jax.nn.leaky_relu(res @ hw_w.T + hw_b, negative_slope=0.2)
    return fh


if False:  # reference __main__ guard neutralized (emitter)
    out = reference(**setup_inputs())
    print(out.shape, out.dtype)

if __name__ == "__main__":
    import jax
    _d = setup_inputs()
    print(jax.jit(kernel)(*tuple(_d.values())))

</pallas_src>

<mosaic_0001>
#map = affine_map<(d0, d1) -> (0, 0)>
#map1 = affine_map<(d0, d1) -> (0)>
module attributes {stable_mosaic.version = 14 : i64} {
  func.func @gather_kernel(%arg0: i32, %arg1: i32, %arg2: memref<50000x256xi32, #tpu.memory_space<hbm>>, %arg3: memref<32768xi32, #tpu.memory_space<hbm>>, %arg4: memref<32768x256xi32, #tpu.memory_space<hbm>>, %arg5: memref<1024xi32, #tpu.memory_space<vmem>>, %arg6: memref<128x256xi32, #tpu.memory_space<vmem>>, %arg7: memref<128x256xi32, #tpu.memory_space<vmem>>, %arg8: memref<!tpu.dma_semaphore, #tpu.memory_space<semaphore_mem>>, %arg9: memref<!tpu.dma_semaphore, #tpu.memory_space<semaphore_mem>>) attributes {dimension_semantics = [#tpu.dimension_semantics<core_parallel>, #tpu.dimension_semantics<subcore_parallel>], iteration_bounds = array<i64: 2, 16>, scalar_prefetch = 0 : i64, scratch_operands = 5 : i64, tpu.core_type = #tpu.core_type<sc_vector_subcore>, window_params = [{transform_indices = #map}, {transform_indices = #map1}, {transform_indices = #map}]} {
    %mul3A = arith.constant 2 : i32
    %mul3A_0 = arith.muli %arg1, %mul3A : i32
    %add3A = arith.addi %mul3A_0, %arg0 : i32
    %mul3A_1 = arith.constant 1024 : i32
    %mul3A_2 = arith.muli %add3A, %mul3A_1 : i32
    "tpu.region"() ({
      %run_scoped3A = tpu.sem_alloc : memref<!tpu.dma_semaphore, #tpu.memory_space<semaphore_mem>>
      %dma_start3A_17 = tpu.memref_slice %arg3[%mul3A_2] : memref<32768xi32, #tpu.memory_space<hbm>> -> memref<1024xi32, #tpu.memory_space<hbm>>
      %dma_start3A_18 = tpu.memref_slice %arg3[%mul3A_2] : memref<32768xi32, #tpu.memory_space<hbm>> -> memref<1024xi32, #tpu.memory_space<hbm>>
      tpu.enqueue_dma source(%dma_start3A_18 : memref<1024xi32, #tpu.memory_space<hbm>>) target(%arg5 : memref<1024xi32, #tpu.memory_space<vmem>>) target_semaphore(%run_scoped3A : memref<!tpu.dma_semaphore, #tpu.memory_space<semaphore_mem>>)
      %dma_wait3A = tpu.memref_slice %arg3[%mul3A_2] : memref<32768xi32, #tpu.memory_space<hbm>> -> memref<1024xi32, #tpu.memory_space<hbm>>
      %dma_wait3A_19 = tpu.memref_slice %arg3[%mul3A_2] : memref<32768xi32, #tpu.memory_space<hbm>> -> memref<1024xi32, #tpu.memory_space<hbm>>
      tpu.wait_dma2 semaphore(%run_scoped3A : memref<!tpu.dma_semaphore, #tpu.memory_space<semaphore_mem>>) src(%dma_wait3A_19 : memref<1024xi32, #tpu.memory_space<hbm>>) dst(%arg5 : memref<1024xi32, #tpu.memory_space<vmem>>)
      tpu.yield
    }) : () -> ()
    %dma_start3A = arith.constant 0 : i32
    %dma_start3A_3 = tpu.memref_slice %arg5[%dma_start3A] : memref<1024xi32, #tpu.memory_space<vmem>> -> memref<128xi32, #tpu.memory_space<vmem>>
    %dma_start3A_4 = arith.constant 0 : i32
    %dma_start3A_5 = arith.constant 0 : i32
    %dma_start3A_6 = tpu.memref_slice %arg2[%dma_start3A_4, %dma_start3A_5] : memref<50000x256xi32, #tpu.memory_space<hbm>> -> memref<50000x256xi32, #tpu.memory_space<hbm>>
    tpu.enqueue_indirect_dma source(%dma_start3A_6 : memref<50000x256xi32, #tpu.memory_space<hbm>>) target(%arg6 : memref<128x256xi32, #tpu.memory_space<vmem>>) offsets(%dma_start3A_3 : memref<128xi32, #tpu.memory_space<vmem>>) semaphore(%arg8 : memref<!tpu.dma_semaphore, #tpu.memory_space<semaphore_mem>>)
    %dma_start3A_7 = arith.constant 128 : i32
    %dma_start3A_8 = tpu.memref_slice %arg5[%dma_start3A_7] : memref<1024xi32, #tpu.memory_space<vmem>> -> memref<128xi32, #tpu.memory_space<vmem>>
    %dma_start3A_9 = arith.constant 0 : i32
    %dma_start3A_10 = arith.constant 0 : i32
    %dma_start3A_11 = tpu.memref_slice %arg2[%dma_start3A_9, %dma_start3A_10] : memref<50000x256xi32, #tpu.memory_space<hbm>> -> memref<50000x256xi32, #tpu.memory_space<hbm>>
    tpu.enqueue_indirect_dma source(%dma_start3A_11 : memref<50000x256xi32, #tpu.memory_space<hbm>>) target(%arg7 : memref<128x256xi32, #tpu.memory_space<vmem>>) offsets(%dma_start3A_8 : memref<128xi32, #tpu.memory_space<vmem>>) semaphore(%arg9 : memref<!tpu.dma_semaphore, #tpu.memory_space<semaphore_mem>>)
    %scan3A = arith.constant 0 : i32
    %scan3A_12 = arith.constant 0 : i32
    %scan3A_13 = arith.constant 4 : i32
    %scan3A_14 = arith.addi %scan3A_12, %scan3A_13 : i32
    %scan3A_15 = arith.constant 1 : i32
    scf.for %scan3A_17 = %scan3A_12 to %scan3A_14 step %scan3A_15  : i32 {
      %mul3A_18 = arith.constant 2 : i32
      %mul3A_19 = arith.muli %scan3A_17, %mul3A_18 : i32
      %add3A_20 = arith.constant 0 : i32
      %add3A_21 = arith.addi %mul3A_19, %add3A_20 : i32
      %mul3A_22 = arith.constant 128 : i32
      %mul3A_23 = arith.muli %add3A_21, %mul3A_22 : i32
      %dma_wait3A = tpu.memref_slice %arg5[%mul3A_23] : memref<1024xi32, #tpu.memory_space<vmem>> -> memref<128xi32, #tpu.memory_space<vmem>>
      %dma_wait3A_24 = arith.constant 0 : i32
      %dma_wait3A_25 = arith.constant 0 : i32
      %dma_wait3A_26 = tpu.memref_slice %arg2[%dma_wait3A_24, %dma_wait3A_25] : memref<50000x256xi32, #tpu.memory_space<hbm>> -> memref<50000x256xi32, #tpu.memory_space<hbm>>
      tpu.wait_indirect_dma semaphore(%arg8 : memref<!tpu.dma_semaphore, #tpu.memory_space<semaphore_mem>>) src(%dma_wait3A_26 : memref<50000x256xi32, #tpu.memory_space<hbm>>) dst(%arg6 : memref<128x256xi32, #tpu.memory_space<vmem>>)
      %mul3A_27 = arith.constant 128 : i32
      %mul3A_28 = arith.muli %add3A_21, %mul3A_27 : i32
      %add3A_29 = arith.addi %mul3A_2, %mul3A_28 : i32
      "tpu.region"() ({
        %run_scoped3A = tpu.sem_alloc : memref<!tpu.dma_semaphore, #tpu.memory_space<semaphore_mem>>
        %dma_start3A_52 = arith.constant 0 : i32
        %dma_start3A_53 = tpu.memref_slice %arg4[%add3A_29, %dma_start3A_52] : memref<32768x256xi32, #tpu.memory_space<hbm>> -> memref<128x256xi32, #tpu.memory_space<hbm>>
        %dma_start3A_54 = arith.constant 0 : i32
        %dma_start3A_55 = tpu.memref_slice %arg4[%add3A_29, %dma_start3A_54] : memref<32768x256xi32, #tpu.memory_space<hbm>> -> memref<128x256xi32, #tpu.memory_space<hbm>>
        tpu.enqueue_dma source(%arg6 : memref<128x256xi32, #tpu.memory_space<vmem>>) target(%dma_start3A_55 : memref<128x256xi32, #tpu.memory_space<hbm>>) target_semaphore(%run_scoped3A : memref<!tpu.dma_semaphore, #tpu.memory_space<semaphore_mem>>)
        %dma_wait3A_56 = arith.constant 0 : i32
        %dma_wait3A_57 = tpu.memref_slice %arg4[%add3A_29, %dma_wait3A_56] : memref<32768x256xi32, #tpu.memory_space<hbm>> -> memref<128x256xi32, #tpu.memory_space<hbm>>
        %dma_wait3A_58 = arith.constant 0 : i32
        %dma_wait3A_59 = tpu.memref_slice %arg4[%add3A_29, %dma_wait3A_58] : memref<32768x256xi32, #tpu.memory_space<hbm>> -> memref<128x256xi32, #tpu.memory_space<hbm>>
        tpu.wait_dma2 semaphore(%run_scoped3A : memref<!tpu.dma_semaphore, #tpu.memory_space<semaphore_mem>>) src(%arg6 : memref<128x256xi32, #tpu.memory_space<vmem>>) dst(%dma_wait3A_59 : memref<128x256xi32, #tpu.memory_space<hbm>>)
        tpu.yield
      }) : () -> ()
      %add3A_30 = arith.constant 2 : i32
      %add3A_31 = arith.addi %add3A_21, %add3A_30 : i32
      %lt3A = arith.constant 8 : i32
      %lt3A_32 = arith.cmpi slt, %add3A_31, %lt3A : i32
      %convert_element_type3A = arith.extui %lt3A_32 : i1 to i32
      %cond3A = arith.constant 0 : i32
      %cond3A_33 = arith.cmpi ne, %convert_element_type3A, %cond3A : i32
      scf.if %cond3A_33 {
        %add3A_52 = arith.constant 2 : i32
        %add3A_53 = arith.addi %add3A_21, %add3A_52 : i32
        %mul3A_54 = arith.constant 128 : i32
        %mul3A_55 = arith.muli %add3A_53, %mul3A_54 : i32
        %dma_start3A_56 = tpu.memref_slice %arg5[%mul3A_55] : memref<1024xi32, #tpu.memory_space<vmem>> -> memref<128xi32, #tpu.memory_space<vmem>>
        %dma_start3A_57 = arith.constant 0 : i32
        %dma_start3A_58 = arith.constant 0 : i32
        %dma_start3A_59 = tpu.memref_slice %arg2[%dma_start3A_57, %dma_start3A_58] : memref<50000x256xi32, #tpu.memory_space<hbm>> -> memref<50000x256xi32, #tpu.memory_space<hbm>>
        tpu.enqueue_indirect_dma source(%dma_start3A_59 : memref<50000x256xi32, #tpu.memory_space<hbm>>) target(%arg6 : memref<128x256xi32, #tpu.memory_space<vmem>>) offsets(%dma_start3A_56 : memref<128xi32, #tpu.memory_space<vmem>>) semaphore(%arg8 : memref<!tpu.dma_semaphore, #tpu.memory_space<semaphore_mem>>)
      } else {
      }
      %add3A_34 = arith.constant 1 : i32
      %add3A_35 = arith.addi %mul3A_19, %add3A_34 : i32
      %mul3A_36 = arith.constant 128 : i32
      %mul3A_37 = arith.muli %add3A_35, %mul3A_36 : i32
      %dma_wait3A_38 = tpu.memref_slice %arg5[%mul3A_37] : memref<1024xi32, #tpu.memory_space<vmem>> -> memref<128xi32, #tpu.memory_space<vmem>>
      %dma_wait3A_39 = arith.constant 0 : i32
      %dma_wait3A_40 = arith.constant 0 : i32
      %dma_wait3A_41 = tpu.memref_slice %arg2[%dma_wait3A_39, %dma_wait3A_40] : memref<50000x256xi32, #tpu.memory_space<hbm>> -> memref<50000x256xi32, #tpu.memory_space<hbm>>
      tpu.wait_indirect_dma semaphore(%arg9 : memref<!tpu.dma_semaphore, #tpu.memory_space<semaphore_mem>>) src(%dma_wait3A_41 : memref<50000x256xi32, #tpu.memory_space<hbm>>) dst(%arg7 : memref<128x256xi32, #tpu.memory_space<vmem>>)
      %mul3A_42 = arith.constant 128 : i32
      %mul3A_43 = arith.muli %add3A_35, %mul3A_42 : i32
      %add3A_44 = arith.addi %mul3A_2, %mul3A_43 : i32
      "tpu.region"() ({
        %run_scoped3A = tpu.sem_alloc : memref<!tpu.dma_semaphore, #tpu.memory_space<semaphore_mem>>
        %dma_start3A_52 = arith.constant 0 : i32
        %dma_start3A_53 = tpu.memref_slice %arg4[%add3A_44, %dma_start3A_52] : memref<32768x256xi32, #tpu.memory_space<hbm>> -> memref<128x256xi32, #tpu.memory_space<hbm>>
        %dma_start3A_54 = arith.constant 0 : i32
        %dma_start3A_55 = tpu.memref_slice %arg4[%add3A_44, %dma_start3A_54] : memref<32768x256xi32, #tpu.memory_space<hbm>> -> memref<128x256xi32, #tpu.memory_space<hbm>>
        tpu.enqueue_dma source(%arg7 : memref<128x256xi32, #tpu.memory_space<vmem>>) target(%dma_start3A_55 : memref<128x256xi32, #tpu.memory_space<hbm>>) target_semaphore(%run_scoped3A : memref<!tpu.dma_semaphore, #tpu.memory_space<semaphore_mem>>)
        %dma_wait3A_56 = arith.constant 0 : i32
        %dma_wait3A_57 = tpu.memref_slice %arg4[%add3A_44, %dma_wait3A_56] : memref<32768x256xi32, #tpu.memory_space<hbm>> -> memref<128x256xi32, #tpu.memory_space<hbm>>
        %dma_wait3A_58 = arith.constant 0 : i32
        %dma_wait3A_59 = tpu.memref_slice %arg4[%add3A_44, %dma_wait3A_58] : memref<32768x256xi32, #tpu.memory_space<hbm>> -> memref<128x256xi32, #tpu.memory_space<hbm>>
        tpu.wait_dma2 semaphore(%run_scoped3A : memref<!tpu.dma_semaphore, #tpu.memory_space<semaphore_mem>>) src(%arg7 : memref<128x256xi32, #tpu.memory_space<vmem>>) dst(%dma_wait3A_59 : memref<128x256xi32, #tpu.memory_space<hbm>>)
        tpu.yield
      }) : () -> ()
      %add3A_45 = arith.constant 2 : i32
      %add3A_46 = arith.addi %add3A_35, %add3A_45 : i32
      %lt3A_47 = arith.constant 8 : i32
      %lt3A_48 = arith.cmpi slt, %add3A_46, %lt3A_47 : i32
      %convert_element_type3A_49 = arith.extui %lt3A_48 : i1 to i32
      %cond3A_50 = arith.constant 0 : i32
      %cond3A_51 = arith.cmpi ne, %convert_element_type3A_49, %cond3A_50 : i32
      scf.if %cond3A_51 {
        %add3A_52 = arith.constant 2 : i32
        %add3A_53 = arith.addi %add3A_35, %add3A_52 : i32
        %mul3A_54 = arith.constant 128 : i32
        %mul3A_55 = arith.muli %add3A_53, %mul3A_54 : i32
        %dma_start3A_56 = tpu.memref_slice %arg5[%mul3A_55] : memref<1024xi32, #tpu.memory_space<vmem>> -> memref<128xi32, #tpu.memory_space<vmem>>
        %dma_start3A_57 = arith.constant 0 : i32
        %dma_start3A_58 = arith.constant 0 : i32
        %dma_start3A_59 = tpu.memref_slice %arg2[%dma_start3A_57, %dma_start3A_58] : memref<50000x256xi32, #tpu.memory_space<hbm>> -> memref<50000x256xi32, #tpu.memory_space<hbm>>
        tpu.enqueue_indirect_dma source(%dma_start3A_59 : memref<50000x256xi32, #tpu.memory_space<hbm>>) target(%arg7 : memref<128x256xi32, #tpu.memory_space<vmem>>) offsets(%dma_start3A_56 : memref<128xi32, #tpu.memory_space<vmem>>) semaphore(%arg9 : memref<!tpu.dma_semaphore, #tpu.memory_space<semaphore_mem>>)
      } else {
      }
    }
    %scan3A_16 = arith.constant 4 : i32
    return
  }
}

#map = affine_map<(d0, d1) -> (0, 0)>
#map1 = affine_map<(d0, d1) -> (0)>
module attributes {stable_mosaic.version = 14 : i64} {
  func.func @gather_kernel(%arg0: i32, %arg1: i32, %arg2: memref<50000x256xi32, #tpu.memory_space<hbm>>, %arg3: memref<32768xi32, #tpu.memory_space<hbm>>, %arg4: memref<32768x256xi32, #tpu.memory_space<hbm>>, %arg5: memref<1024xi32, #tpu.memory_space<vmem>>, %arg6: memref<128x256xi32, #tpu.memory_space<vmem>>, %arg7: memref<128x256xi32, #tpu.memory_space<vmem>>, %arg8: memref<!tpu.dma_semaphore, #tpu.memory_space<semaphore_mem>>, %arg9: memref<!tpu.dma_semaphore, #tpu.memory_space<semaphore_mem>>) attributes {dimension_semantics = [#tpu.dimension_semantics<core_parallel>, #tpu.dimension_semantics<subcore_parallel>], iteration_bounds = array<i64: 2, 16>, scalar_prefetch = 0 : i64, scratch_operands = 5 : i64, tpu.core_type = #tpu.core_type<sc_vector_subcore>, window_params = [{transform_indices = #map}, {transform_indices = #map1}, {transform_indices = #map}]} {
    %mul3A = arith.constant 2 : i32
    %mul3A_0 = arith.muli %arg1, %mul3A : i32
    %add3A = arith.addi %mul3A_0, %arg0 : i32
    %mul3A_1 = arith.constant 1024 : i32
    %mul3A_2 = arith.muli %add3A, %mul3A_1 : i32
    "tpu.region"() ({
      %run_scoped3A = tpu.sem_alloc : memref<!tpu.dma_semaphore, #tpu.memory_space<semaphore_mem>>
      %dma_start3A_17 = tpu.memref_slice %arg3[%mul3A_2] : memref<32768xi32, #tpu.memory_space<hbm>> -> memref<1024xi32, #tpu.memory_space<hbm>>
      %dma_start3A_18 = tpu.memref_slice %arg3[%mul3A_2] : memref<32768xi32, #tpu.memory_space<hbm>> -> memref<1024xi32, #tpu.memory_space<hbm>>
      tpu.enqueue_dma source(%dma_start3A_18 : memref<1024xi32, #tpu.memory_space<hbm>>) target(%arg5 : memref<1024xi32, #tpu.memory_space<vmem>>) target_semaphore(%run_scoped3A : memref<!tpu.dma_semaphore, #tpu.memory_space<semaphore_mem>>)
      %dma_wait3A = tpu.memref_slice %arg3[%mul3A_2] : memref<32768xi32, #tpu.memory_space<hbm>> -> memref<1024xi32, #tpu.memory_space<hbm>>
      %dma_wait3A_19 = tpu.memref_slice %arg3[%mul3A_2] : memref<32768xi32, #tpu.memory_space<hbm>> -> memref<1024xi32, #tpu.memory_space<hbm>>
      tpu.wait_dma2 semaphore(%run_scoped3A : memref<!tpu.dma_semaphore, #tpu.memory_space<semaphore_mem>>) src(%dma_wait3A_19 : memref<1024xi32, #tpu.memory_space<hbm>>) dst(%arg5 : memref<1024xi32, #tpu.memory_space<vmem>>)
      tpu.yield
    }) : () -> ()
    %dma_start3A = arith.constant 0 : i32
    %dma_start3A_3 = tpu.memref_slice %arg5[%dma_start3A] : memref<1024xi32, #tpu.memory_space<vmem>> -> memref<128xi32, #tpu.memory_space<vmem>>
    %dma_start3A_4 = arith.constant 0 : i32
    %dma_start3A_5 = arith.constant 0 : i32
    %dma_start3A_6 = tpu.memref_slice %arg2[%dma_start3A_4, %dma_start3A_5] : memref<50000x256xi32, #tpu.memory_space<hbm>> -> memref<50000x256xi32, #tpu.memory_space<hbm>>
    tpu.enqueue_indirect_dma source(%dma_start3A_6 : memref<50000x256xi32, #tpu.memory_space<hbm>>) target(%arg6 : memref<128x256xi32, #tpu.memory_space<vmem>>) offsets(%dma_start3A_3 : memref<128xi32, #tpu.memory_space<vmem>>) semaphore(%arg8 : memref<!tpu.dma_semaphore, #tpu.memory_space<semaphore_mem>>)
    %dma_start3A_7 = arith.constant 128 : i32
    %dma_start3A_8 = tpu.memref_slice %arg5[%dma_start3A_7] : memref<1024xi32, #tpu.memory_space<vmem>> -> memref<128xi32, #tpu.memory_space<vmem>>
    %dma_start3A_9 = arith.constant 0 : i32
    %dma_start3A_10 = arith.constant 0 : i32
    %dma_start3A_11 = tpu.memref_slice %arg2[%dma_start3A_9, %dma_start3A_10] : memref<50000x256xi32, #tpu.memory_space<hbm>> -> memref<50000x256xi32, #tpu.memory_space<hbm>>
    tpu.enqueue_indirect_dma source(%dma_start3A_11 : memref<50000x256xi32, #tpu.memory_space<hbm>>) target(%arg7 : memref<128x256xi32, #tpu.memory_space<vmem>>) offsets(%dma_start3A_8 : memref<128xi32, #tpu.memory_space<vmem>>) semaphore(%arg9 : memref<!tpu.dma_semaphore, #tpu.memory_space<semaphore_mem>>)
    %scan3A = arith.constant 0 : i32
    %scan3A_12 = arith.constant 0 : i32
    %scan3A_13 = arith.constant 4 : i32
    %scan3A_14 = arith.addi %scan3A_12, %scan3A_13 : i32
    %scan3A_15 = arith.constant 1 : i32
    scf.for %scan3A_17 = %scan3A_12 to %scan3A_14 step %scan3A_15  : i32 {
      %mul3A_18 = arith.constant 2 : i32
      %mul3A_19 = arith.muli %scan3A_17, %mul3A_18 : i32
      %add3A_20 = arith.constant 0 : i32
      %add3A_21 = arith.addi %mul3A_19, %add3A_20 : i32
      %mul3A_22 = arith.constant 128 : i32
      %mul3A_23 = arith.muli %add3A_21, %mul3A_22 : i32
      %dma_wait3A = tpu.memref_slice %arg5[%mul3A_23] : memref<1024xi32, #tpu.memory_space<vmem>> -> memref<128xi32, #tpu.memory_space<vmem>>
      %dma_wait3A_24 = arith.constant 0 : i32
      %dma_wait3A_25 = arith.constant 0 : i32
      %dma_wait3A_26 = tpu.memref_slice %arg2[%dma_wait3A_24, %dma_wait3A_25] : memref<50000x256xi32, #tpu.memory_space<hbm>> -> memref<50000x256xi32, #tpu.memory_space<hbm>>
      tpu.wait_indirect_dma semaphore(%arg8 : memref<!tpu.dma_semaphore, #tpu.memory_space<semaphore_mem>>) src(%dma_wait3A_26 : memref<50000x256xi32, #tpu.memory_space<hbm>>) dst(%arg6 : memref<128x256xi32, #tpu.memory_space<vmem>>)
      %mul3A_27 = arith.constant 128 : i32
      %mul3A_28 = arith.muli %add3A_21, %mul3A_27 : i32
      %add3A_29 = arith.addi %mul3A_2, %mul3A_28 : i32
      "tpu.region"() ({
        %run_scoped3A = tpu.sem_alloc : memref<!tpu.dma_semaphore, #tpu.memory_space<semaphore_mem>>
        %dma_start3A_52 = arith.constant 0 : i32
        %dma_start3A_53 = tpu.memref_slice %arg4[%add3A_29, %dma_start3A_52] : memref<32768x256xi32, #tpu.memory_space<hbm>> -> memref<128x256xi32, #tpu.memory_space<hbm>>
        %dma_start3A_54 = arith.constant 0 : i32
        %dma_start3A_55 = tpu.memref_slice %arg4[%add3A_29, %dma_start3A_54] : memref<32768x256xi32, #tpu.memory_space<hbm>> -> memref<128x256xi32, #tpu.memory_space<hbm>>
        tpu.enqueue_dma source(%arg6 : memref<128x256xi32, #tpu.memory_space<vmem>>) target(%dma_start3A_55 : memref<128x256xi32, #tpu.memory_space<hbm>>) target_semaphore(%run_scoped3A : memref<!tpu.dma_semaphore, #tpu.memory_space<semaphore_mem>>)
        %dma_wait3A_56 = arith.constant 0 : i32
        %dma_wait3A_57 = tpu.memref_slice %arg4[%add3A_29, %dma_wait3A_56] : memref<32768x256xi32, #tpu.memory_space<hbm>> -> memref<128x256xi32, #tpu.memory_space<hbm>>
        %dma_wait3A_58 = arith.constant 0 : i32
        %dma_wait3A_59 = tpu.memref_slice %arg4[%add3A_29, %dma_wait3A_58] : memref<32768x256xi32, #tpu.memory_space<hbm>> -> memref<128x256xi32, #tpu.memory_space<hbm>>
        tpu.wait_dma2 semaphore(%run_scoped3A : memref<!tpu.dma_semaphore, #tpu.memory_space<semaphore_mem>>) src(%arg6 : memref<128x256xi32, #tpu.memory_space<vmem>>) dst(%dma_wait3A_59 : memref<128x256xi32, #tpu.memory_space<hbm>>)
        tpu.yield
      }) : () -> ()
      %add3A_30 = arith.constant 2 : i32
      %add3A_31 = arith.addi %add3A_21, %add3A_30 : i32
      %lt3A = arith.constant 8 : i32
      %lt3A_32 = arith.cmpi slt, %add3A_31, %lt3A : i32
      %convert_element_type3A = arith.extui %lt3A_32 : i1 to i32
      %cond3A = arith.constant 0 : i32
      %cond3A_33 = arith.cmpi ne, %convert_element_type3A, %cond3A : i32
      scf.if %cond3A_33 {
        %add3A_52 = arith.constant 2 : i32
        %add3A_53 = arith.addi %add3A_21, %add3A_52 : i32
        %mul3A_54 = arith.constant 128 : i32
        %mul3A_55 = arith.muli %add3A_53, %mul3A_54 : i32
        %dma_start3A_56 = tpu.memref_slice %arg5[%mul3A_55] : memref<1024xi32, #tpu.memory_space<vmem>> -> memref<128xi32, #tpu.memory_space<vmem>>
        %dma_start3A_57 = arith.constant 0 : i32
        %dma_start3A_58 = arith.constant 0 : i32
        %dma_start3A_59 = tpu.memref_slice %arg2[%dma_start3A_57, %dma_start3A_58] : memref<50000x256xi32, #tpu.memory_space<hbm>> -> memref<50000x256xi32, #tpu.memory_space<hbm>>
        tpu.enqueue_indirect_dma source(%dma_start3A_59 : memref<50000x256xi32, #tpu.memory_space<hbm>>) target(%arg6 : memref<128x256xi32, #tpu.memory_space<vmem>>) offsets(%dma_start3A_56 : memref<128xi32, #tpu.memory_space<vmem>>) semaphore(%arg8 : memref<!tpu.dma_semaphore, #tpu.memory_space<semaphore_mem>>)
      } else {
      }
      %add3A_34 = arith.constant 1 : i32
      %add3A_35 = arith.addi %mul3A_19, %add3A_34 : i32
      %mul3A_36 = arith.constant 128 : i32
      %mul3A_37 = arith.muli %add3A_35, %mul3A_36 : i32
      %dma_wait3A_38 = tpu.memref_slice %arg5[%mul3A_37] : memref<1024xi32, #tpu.memory_space<vmem>> -> memref<128xi32, #tpu.memory_space<vmem>>
      %dma_wait3A_39 = arith.constant 0 : i32
      %dma_wait3A_40 = arith.constant 0 : i32
      %dma_wait3A_41 = tpu.memref_slice %arg2[%dma_wait3A_39, %dma_wait3A_40] : memref<50000x256xi32, #tpu.memory_space<hbm>> -> memref<50000x256xi32, #tpu.memory_space<hbm>>
      tpu.wait_indirect_dma semaphore(%arg9 : memref<!tpu.dma_semaphore, #tpu.memory_space<semaphore_mem>>) src(%dma_wait3A_41 : memref<50000x256xi32, #tpu.memory_space<hbm>>) dst(%arg7 : memref<128x256xi32, #tpu.memory_space<vmem>>)
      %mul3A_42 = arith.constant 128 : i32
      %mul3A_43 = arith.muli %add3A_35, %mul3A_42 : i32
      %add3A_44 = arith.addi %mul3A_2, %mul3A_43 : i32
      "tpu.region"() ({
        %run_scoped3A = tpu.sem_alloc : memref<!tpu.dma_semaphore, #tpu.memory_space<semaphore_mem>>
        %dma_start3A_52 = arith.constant 0 : i32
        %dma_start3A_53 = tpu.memref_slice %arg4[%add3A_44, %dma_start3A_52] : memref<32768x256xi32, #tpu.memory_space<hbm>> -> memref<128x256xi32, #tpu.memory_space<hbm>>
        %dma_start3A_54 = arith.constant 0 : i32
        %dma_start3A_55 = tpu.memref_slice %arg4[%add3A_44, %dma_start3A_54] : memref<32768x256xi32, #tpu.memory_space<hbm>> -> memref<128x256xi32, #tpu.memory_space<hbm>>
        tpu.enqueue_dma source(%arg7 : memref<128x256xi32, #tpu.memory_space<vmem>>) target(%dma_start3A_55 : memref<128x256xi32, #tpu.memory_space<hbm>>) target_semaphore(%run_scoped3A : memref<!tpu.dma_semaphore, #tpu.memory_space<semaphore_mem>>)
        %dma_wait3A_56 = arith.constant 0 : i32
        %dma_wait3A_57 = tpu.memref_slice %arg4[%add3A_44, %dma_wait3A_56] : memref<32768x256xi32, #tpu.memory_space<hbm>> -> memref<128x256xi32, #tpu.memory_space<hbm>>
        %dma_wait3A_58 = arith.constant 0 : i32
        %dma_wait3A_59 = tpu.memref_slice %arg4[%add3A_44, %dma_wait3A_58] : memref<32768x256xi32, #tpu.memory_space<hbm>> -> memref<128x256xi32, #tpu.memory_space<hbm>>
        tpu.wait_dma2 semaphore(%run_scoped3A : memref<!tpu.dma_semaphore, #tpu.memory_space<semaphore_mem>>) src(%arg7 : memref<128x256xi32, #tpu.memory_space<vmem>>) dst(%dma_wait3A_59 : memref<128x256xi32, #tpu.memory_space<hbm>>)
        tpu.yield
      }) : () -> ()
      %add3A_45 = arith.constant 2 : i32
      %add3A_46 = arith.addi %add3A_35, %add3A_45 : i32
      %lt3A_47 = arith.constant 8 : i32
      %lt3A_48 = arith.cmpi slt, %add3A_46, %lt3A_47 : i32
      %convert_element_type3A_49 = arith.extui %lt3A_48 : i1 to i32
      %cond3A_50 = arith.constant 0 : i32
      %cond3A_51 = arith.cmpi ne, %convert_element_type3A_49, %cond3A_50 : i32
      scf.if %cond3A_51 {
        %add3A_52 = arith.constant 2 : i32
        %add3A_53 = arith.addi %add3A_35, %add3A_52 : i32
        %mul3A_54 = arith.constant 128 : i32
        %mul3A_55 = arith.muli %add3A_53, %mul3A_54 : i32
        %dma_start3A_56 = tpu.memref_slice %arg5[%mul3A_55] : memref<1024xi32, #tpu.memory_space<vmem>> -> memref<128xi32, #tpu.memory_space<vmem>>
        %dma_start3A_57 = arith.constant 0 : i32
        %dma_start3A_58 = arith.constant 0 : i32
        %dma_start3A_59 = tpu.memref_slice %arg2[%dma_start3A_57, %dma_start3A_58] : memref<50000x256xi32, #tpu.memory_space<hbm>> -> memref<50000x256xi32, #tpu.memory_space<hbm>>
        tpu.enqueue_indirect_dma source(%dma_start3A_59 : memref<50000x256xi32, #tpu.memory_space<hbm>>) target(%arg7 : memref<128x256xi32, #tpu.memory_space<vmem>>) offsets(%dma_start3A_56 : memref<128xi32, #tpu.memory_space<vmem>>) semaphore(%arg9 : memref<!tpu.dma_semaphore, #tpu.memory_space<semaphore_mem>>)
      } else {
      }
    }
    %scan3A_16 = arith.constant 4 : i32
    return
  }
}

module attributes {stable_mosaic.version = 14 : i64} {
  func.func @_mlp_body(%arg0: i32, %arg1: memref<1xi32, #tpu.memory_space<smem>>, %arg2: memref<8x512xf32, #tpu.memory_space<vmem>>, %arg3: memref<2048x256xi32, #tpu.memory_space<vmem>>, %arg4: memref<2048x256xi32, #tpu.memory_space<vmem>>, %arg5: memref<512x512xf32, #tpu.memory_space<vmem>>, %arg6: memref<512x256xbf16, #tpu.memory_space<vmem>>, %arg7: memref<512x256xbf16, #tpu.memory_space<vmem>>, %arg8: memref<512x256xbf16, #tpu.memory_space<vmem>>, %arg9: memref<512x256xbf16, #tpu.memory_space<vmem>>, %arg10: memref<1x512xf32, #tpu.memory_space<vmem>>, %arg11: memref<512x512xf32, #tpu.memory_space<vmem>>, %arg12: memref<512x512xf32, #tpu.memory_space<vmem>>, %arg13: memref<1x512xf32, #tpu.memory_space<vmem>>, %arg14: memref<1x512xf32, #tpu.memory_space<vmem>>, %arg15: memref<1x512xf32, #tpu.memory_space<vmem>>, %arg16: memref<1x512xf32, #tpu.memory_space<vmem>>) attributes {dimension_semantics = [#tpu.dimension_semantics<arbitrary>], iteration_bounds = array<i64: 8>, scalar_prefetch = 1 : i64, scratch_operands = 1 : i64, tpu.core_type = #tpu.core_type<tc>, window_params = [{transform_indices = @transform_0, window_bounds = array<i64: 8, 512>}, {transform_indices = @transform_1, window_bounds = array<i64: 2048, 256>}, {transform_indices = @transform_2, window_bounds = array<i64: 2048, 256>}, {pipeline_mode = #tpu.pipeline_mode<synchronous>, transform_indices = @transform_3, window_bounds = array<i64: 512, 512>}, {pipeline_mode = #tpu.pipeline_mode<synchronous>, transform_indices = @transform_4, window_bounds = array<i64: 512, 256>}, {pipeline_mode = #tpu.pipeline_mode<synchronous>, transform_indices = @transform_5, window_bounds = array<i64: 512, 256>}, {pipeline_mode = #tpu.pipeline_mode<synchronous>, transform_indices = @transform_6, window_bounds = array<i64: 512, 256>}, {pipeline_mode = #tpu.pipeline_mode<synchronous>, transform_indices = @transform_7, window_bounds = array<i64: 512, 256>}, {pipeline_mode = #tpu.pipeline_mode<synchronous>, transform_indices = @transform_8, window_bounds = array<i64: 1, 512>}, {pipeline_mode = #tpu.pipeline_mode<synchronous>, transform_indices = @transform_9, window_bounds = array<i64: 512, 512>}, {pipeline_mode = #tpu.pipeline_mode<synchronous>, transform_indices = @transform_10, window_bounds = array<i64: 512, 512>}, {pipeline_mode = #tpu.pipeline_mode<synchronous>, transform_indices = @transform_11, window_bounds = array<i64: 1, 512>}, {pipeline_mode = #tpu.pipeline_mode<synchronous>, transform_indices = @transform_12, window_bounds = array<i64: 1, 512>}, {pipeline_mode = #tpu.pipeline_mode<synchronous>, transform_indices = @transform_13, window_bounds = array<i64: 1, 512>}]} {
    %get3A = arith.constant 0 : index
    %get3A_0 = memref.load %arg1[%get3A] : memref<1xi32, #tpu.memory_space<smem>>
    %jit3A = arith.constant 8 : i32
    %eq3A = arith.constant 0 : i32
    %eq3A_1 = arith.cmpi eq, %jit3A, %eq3A : i32
    %jit3A_2 = arith.constant 1 : i32
    %select_n3A = arith.select %eq3A_1, %jit3A_2, %jit3A : i32
    %rem3A = arith.remsi %get3A_0, %select_n3A : i32
    %ne3A = arith.constant 0 : i32
    %ne3A_3 = arith.cmpi ne, %rem3A, %ne3A : i32
    %lt3A = arith.constant 0 : i32
    %lt3A_4 = arith.cmpi slt, %rem3A, %lt3A : i32
    %lt3A_5 = arith.constant 0 : i32
    %lt3A_6 = arith.cmpi slt, %select_n3A, %lt3A_5 : i32
    %ne3A_7 = arith.xori %lt3A_4, %lt3A_6 : i1
    %and3A = arith.andi %ne3A_7, %ne3A_3 : i1
    %add3A = arith.addi %rem3A, %select_n3A : i32
    %select_n3A_8 = arith.select %and3A, %add3A, %rem3A : i32
    %get3A_9 = arith.index_cast %select_n3A_8 : i32 to index
    %get3A_10 = arith.constant 0 : index
    %get3A_11 = vector.load %arg2[%get3A_9, %get3A_10] : memref<8x512xf32, #tpu.memory_space<vmem>>, vector<1x512xf32>
    %get3A_12 = arith.constant 0 : index
    %get3A_13 = arith.constant 0 : index
    %get3A_14 = vector.load %arg5[%get3A_12, %get3A_13] : memref<512x512xf32, #tpu.memory_space<vmem>>, vector<512x512xf32>
    %dot_general3A = arith.constant dense<0.000000e+00> : vector<1x512xf32>
    %dot_general3A_15 = tpu.matmul %get3A_11, %get3A_14, %dot_general3A {dimension_numbers = #tpu.dot_dimension_numbers<[1], [1], [0], [0], [0, 0, 1, 0], [], []>, transpose_lhs_hint = false} : vector<1x512xf32>, vector<512x512xf32>, vector<1x512xf32> -> vector<1x512xf32>
    %get3A_16 = arith.constant 0 : index
    %get3A_17 = arith.constant 0 : index
    %get3A_18 = vector.load %arg10[%get3A_16, %get3A_17] : memref<1x512xf32, #tpu.memory_space<vmem>>, vector<1x512xf32>
    %add3A_19 = arith.addf %dot_general3A_15, %get3A_18 : vector<1x512xf32>
    %get3A_20 = arith.constant 0 : index
    %get3A_21 = arith.constant 0 : index
    %get3A_22 = vector.load %arg3[%get3A_20, %get3A_21] : memref<2048x256xi32, #tpu.memory_space<vmem>>, vector<2048x256xi32>
    %shift_left3A = arith.constant 16 : i32
    %shift_left3A_23 = vector.broadcast %shift_left3A : i32 to vector<2048x256xi32>
    %shift_left3A_24 = arith.shli %get3A_22, %shift_left3A_23 : vector<2048x256xi32>
    %bitcast_convert_type3A = tpu.bitcast %shift_left3A_24 : vector<2048x256xi32> -> vector<2048x256xf32>
    %and3A_25 = arith.constant -65536 : i32
    %and3A_26 = vector.broadcast %and3A_25 : i32 to vector<2048x256xi32>
    %and3A_27 = arith.andi %get3A_22, %and3A_26 : vector<2048x256xi32>
    %bitcast_convert_type3A_28 = tpu.bitcast %and3A_27 : vector<2048x256xi32> -> vector<2048x256xf32>
    %convert_element_type3A = arith.truncf %bitcast_convert_type3A : vector<2048x256xf32> to vector<2048x256xbf16>
    %convert_element_type3A_29 = arith.truncf %bitcast_convert_type3A_28 : vector<2048x256xf32> to vector<2048x256xbf16>
    %get3A_30 = arith.constant 0 : index
    %get3A_31 = arith.constant 0 : index
    %get3A_32 = vector.load %arg4[%get3A_30, %get3A_31] : memref<2048x256xi32, #tpu.memory_space<vmem>>, vector<2048x256xi32>
    %shift_left3A_33 = arith.constant 16 : i32
    %shift_left3A_34 = vector.broadcast %shift_left3A_33 : i32 to vector<2048x256xi32>
    %shift_left3A_35 = arith.shli %get3A_32, %shift_left3A_34 : vector<2048x256xi32>
    %bitcast_convert_type3A_36 = tpu.bitcast %shift_left3A_35 : vector<2048x256xi32> -> vector<2048x256xf32>
    %and3A_37 = arith.constant -65536 : i32
    %and3A_38 = vector.broadcast %and3A_37 : i32 to vector<2048x256xi32>
    %and3A_39 = arith.andi %get3A_32, %and3A_38 : vector<2048x256xi32>
    %bitcast_convert_type3A_40 = tpu.bitcast %and3A_39 : vector<2048x256xi32> -> vector<2048x256xf32>
    %convert_element_type3A_41 = arith.truncf %bitcast_convert_type3A_36 : vector<2048x256xf32> to vector<2048x256xbf16>
    %convert_element_type3A_42 = arith.truncf %bitcast_convert_type3A_40 : vector<2048x256xf32> to vector<2048x256xbf16>
    %get3A_43 = arith.constant 0 : index
    %get3A_44 = arith.constant 0 : index
    %get3A_45 = vector.load %arg6[%get3A_43, %get3A_44] : memref<512x256xbf16, #tpu.memory_space<vmem>>, vector<512x256xbf16>
    %dot_general3A_46 = arith.constant dense<0.000000e+00> : vector<2048x512xf32>
    %dot_general3A_47 = tpu.matmul %convert_element_type3A, %get3A_45, %dot_general3A_46 {dimension_numbers = #tpu.dot_dimension_numbers<[1], [1], [0], [0], [0, 0, 1, 0], [], []>, transpose_lhs_hint = false} : vector<2048x256xbf16>, vector<512x256xbf16>, vector<2048x512xf32> -> vector<2048x512xf32>
    %get3A_48 = arith.constant 0 : index
    %get3A_49 = arith.constant 0 : index
    %get3A_50 = vector.load %arg7[%get3A_48, %get3A_49] : memref<512x256xbf16, #tpu.memory_space<vmem>>, vector<512x256xbf16>
    %dot_general3A_51 = arith.constant dense<0.000000e+00> : vector<2048x512xf32>
    %dot_general3A_52 = tpu.matmul %convert_element_type3A_29, %get3A_50, %dot_general3A_51 {dimension_numbers = #tpu.dot_dimension_numbers<[1], [1], [0], [0], [0, 0, 1, 0], [], []>, transpose_lhs_hint = false} : vector<2048x256xbf16>, vector<512x256xbf16>, vector<2048x512xf32> -> vector<2048x512xf32>
    %add3A_53 = arith.addf %dot_general3A_47, %dot_general3A_52 : vector<2048x512xf32>
    %get3A_54 = arith.constant 0 : index
    %get3A_55 = arith.constant 0 : index
    %get3A_56 = vector.load %arg8[%get3A_54, %get3A_55] : memref<512x256xbf16, #tpu.memory_space<vmem>>, vector<512x256xbf16>
    %dot_general3A_57 = arith.constant dense<0.000000e+00> : vector<2048x512xf32>
    %dot_general3A_58 = tpu.matmul %convert_element_type3A_41, %get3A_56, %dot_general3A_57 {dimension_numbers = #tpu.dot_dimension_numbers<[1], [1], [0], [0], [0, 0, 1, 0], [], []>, transpose_lhs_hint = false} : vector<2048x256xbf16>, vector<512x256xbf16>, vector<2048x512xf32> -> vector<2048x512xf32>
    %add3A_59 = arith.addf %add3A_53, %dot_general3A_58 : vector<2048x512xf32>
    %get3A_60 = arith.constant 0 : index
    %get3A_61 = arith.constant 0 : index
    %get3A_62 = vector.load %arg9[%get3A_60, %get3A_61] : memref<512x256xbf16, #tpu.memory_space<vmem>>, vector<512x256xbf16>
    %dot_general3A_63 = arith.constant dense<0.000000e+00> : vector<2048x512xf32>
    %dot_general3A_64 = tpu.matmul %convert_element_type3A_42, %get3A_62, %dot_general3A_63 {dimension_numbers = #tpu.dot_dimension_numbers<[1], [1], [0], [0], [0, 0, 1, 0], [], []>, transpose_lhs_hint = false} : vector<2048x256xbf16>, vector<512x256xbf16>, vector<2048x512xf32> -> vector<2048x512xf32>
    %add3A_65 = arith.addf %add3A_59, %dot_general3A_64 : vector<2048x512xf32>
    %add3A_66 = vector.broadcast %add3A_19 : vector<1x512xf32> to vector<2048x512xf32>
    %add3A_67 = arith.addf %add3A_65, %add3A_66 : vector<2048x512xf32>
    %ge3A = arith.constant 0.000000e+00 : f32
    %ge3A_68 = vector.broadcast %ge3A : f32 to vector<2048x512xf32>
    %ge3A_69 = arith.cmpf oge, %add3A_67, %ge3A_68 : vector<2048x512xf32>
    %mul3A = arith.constant 2.000000e-01 : f32
    %mul3A_70 = vector.broadcast %mul3A : f32 to vector<2048x512xf32>
    %mul3A_71 = arith.mulf %mul3A_70, %add3A_67 : vector<2048x512xf32>
    %select_n3A_72 = arith.select %ge3A_69, %add3A_67, %mul3A_71 : vector<2048x512xi1>, vector<2048x512xf32>
    %reduce_sum3A = arith.constant dense<0.000000e+00> : vector<512xf32>
    %reduce_sum3A_73 = vector.multi_reduction <add>, %select_n3A_72, %reduce_sum3A [0] : vector<2048x512xf32> to vector<512xf32>
    %broadcast_in_dim3A = vector.shape_cast %reduce_sum3A_73 : vector<512xf32> to vector<1x512xf32>
    %eq3A_74 = arith.constant 0 : i32
    %eq3A_75 = arith.cmpi eq, %arg0, %eq3A_74 : i32
    %convert_element_type3A_76 = arith.extui %eq3A_75 : i1 to i32
    %cond3A = arith.constant 0 : i32
    %cond3A_77 = arith.cmpi ne, %convert_element_type3A_76, %cond3A : i32
    scf.if %cond3A_77 {
      %get3A_87 = arith.constant 0 : index
      %get3A_88 = arith.constant 0 : index
      %get3A_89 = vector.load %arg14[%get3A_87, %get3A_88] : memref<1x512xf32, #tpu.memory_space<vmem>>, vector<1x512xf32>
      %add3A_90 = arith.addf %broadcast_in_dim3A, %get3A_89 : vector<1x512xf32>
      %swap3A = arith.constant 0 : index
      %swap3A_91 = arith.constant 0 : index
      %swap3A_92 = vector.load %arg16[%swap3A, %swap3A_91] : memref<1x512xf32, #tpu.memory_space<vmem>>, vector<1x512xf32>
      tpu.vector_store %arg16[%swap3A, %swap3A_91], %add3A_90 {strides = array<i32>} : memref<1x512xf32, #tpu.memory_space<vmem>>, vector<1x512xf32>,
    } else {
    }
    %gt3A = arith.constant 0 : i32
    %gt3A_78 = arith.cmpi sgt, %arg0, %gt3A : i32
    %convert_element_type3A_79 = arith.extui %gt3A_78 : i1 to i32
    %cond3A_80 = arith.constant 0 : i32
    %cond3A_81 = arith.cmpi ne, %convert_element_type3A_79, %cond3A_80 : i32
    scf.if %cond3A_81 {
      %get3A_87 = arith.constant 0 : index
      %get3A_88 = arith.constant 0 : index
      %get3A_89 = vector.load %arg16[%get3A_87, %get3A_88] : memref<1x512xf32, #tpu.memory_space<vmem>>, vector<1x512xf32>
      %add3A_90 = arith.addf %get3A_89, %broadcast_in_dim3A : vector<1x512xf32>
      %swap3A = arith.constant 0 : index
      %swap3A_91 = arith.constant 0 : index
      %swap3A_92 = vector.load %arg16[%swap3A, %swap3A_91] : memref<1x512xf32, #tpu.memory_space<vmem>>, vector<1x512xf32>
      tpu.vector_store %arg16[%swap3A, %swap3A_91], %add3A_90 {strides = array<i32>} : memref<1x512xf32, #tpu.memory_space<vmem>>, vector<1x512xf32>,
    } else {
    }
    %eq3A_82 = arith.constant 7 : i32
    %eq3A_83 = arith.cmpi eq, %arg0, %eq3A_82 : i32
    %convert_element_type3A_84 = arith.extui %eq3A_83 : i1 to i32
    %cond3A_85 = arith.constant 0 : i32
    %cond3A_86 = arith.cmpi ne, %convert_element_type3A_84, %cond3A_85 : i32
    scf.if %cond3A_86 {
      %get3A_87 = arith.constant 0 : index
      %get3A_88 = arith.constant 0 : index
      %get3A_89 = vector.load %arg16[%get3A_87, %get3A_88] : memref<1x512xf32, #tpu.memory_space<vmem>>, vector<1x512xf32>
      %swap3A = arith.constant 0 : index
      %swap3A_90 = arith.constant 0 : index
      %swap3A_91 = vector.load %arg15[%swap3A, %swap3A_90] : memref<1x512xf32, #tpu.memory_space<vmem>>, vector<1x512xf32>
      tpu.vector_store %arg15[%swap3A, %swap3A_90], %get3A_89 {strides = array<i32>} : memref<1x512xf32, #tpu.memory_space<vmem>>, vector<1x512xf32>,
    } else {
    }
    return
  }
  func.func @transform_0(%arg0: i32, %arg1: memref<1xi32, #tpu.memory_space<smem>>) -> (i32, i32) {
    %get3A = arith.constant 0 : index
    %get3A_0 = memref.load %arg1[%get3A] : memref<1xi32, #tpu.memory_space<smem>>
    %jit3A = arith.constant 8 : i32
    %div3A = arith.divsi %get3A_0, %jit3A : i32
    %sign3A = arith.constant 0 : i32
    %sign3A_1 = arith.cmpi sgt, %get3A_0, %sign3A : i32
    %sign3A_2 = arith.extui %sign3A_1 : i1 to i32
    %sign3A_3 = arith.constant 0 : i32
    %sign3A_4 = arith.cmpi slt, %get3A_0, %sign3A_3 : i32
    %sign3A_5 = arith.extui %sign3A_4 : i1 to i32
    %sign3A_6 = arith.subi %sign3A_2, %sign3A_5 : i32
    %sign3A_7 = arith.constant 0 : i32
    %sign3A_8 = arith.cmpi sgt, %jit3A, %sign3A_7 : i32
    %sign3A_9 = arith.extui %sign3A_8 : i1 to i32
    %sign3A_10 = arith.constant 0 : i32
    %sign3A_11 = arith.cmpi slt, %jit3A, %sign3A_10 : i32
    %sign3A_12 = arith.extui %sign3A_11 : i1 to i32
    %sign3A_13 = arith.subi %sign3A_9, %sign3A_12 : i32
    %ne3A = arith.cmpi ne, %sign3A_6, %sign3A_13 : i32
    %rem3A = arith.remsi %get3A_0, %jit3A : i32
    %ne3A_14 = arith.constant 0 : i32
    %ne3A_15 = arith.cmpi ne, %rem3A, %ne3A_14 : i32
    %and3A = arith.andi %ne3A, %ne3A_15 : i1
    %sub3A = arith.constant 1 : i32
    %sub3A_16 = arith.subi %div3A, %sub3A : i32
    %select_n3A = arith.select %and3A, %sub3A_16, %div3A : i32
    %c0_i32 = arith.constant 0 : i32
    %c0_i32_17 = arith.constant 0 : i32
    return %select_n3A, %c0_i32 : i32, i32
  }
  func.func @transform_1(%arg0: i32, %arg1: memref<1xi32, #tpu.memory_space<smem>>) -> (i32, i32) {
    %c0_i32 = arith.constant 0 : i32
    %c0_i32_0 = arith.constant 0 : i32
    return %arg0, %c0_i32 : i32, i32
  }
  func.func @transform_2(%arg0: i32, %arg1: memref<1xi32, #tpu.memory_space<smem>>) -> (i32, i32) {
    %add3A = arith.constant 8 : i32
    %add3A_0 = arith.addi %add3A, %arg0 : i32
    %c0_i32 = arith.constant 0 : i32
    %c0_i32_1 = arith.constant 0 : i32
    return %add3A_0, %c0_i32 : i32, i32
  }
  func.func @transform_3(%arg0: i32, %arg1: memref<1xi32, #tpu.memory_space<smem>>) -> (i32, i32) {
    %c0_i32 = arith.constant 0 : i32
    %c0_i32_0 = arith.constant 0 : i32
    %c0_i32_1 = arith.constant 0 : i32
    return %c0_i32, %c0_i32_0 : i32, i32
  }
  func.func @transform_4(%arg0: i32, %arg1: memref<1xi32, #tpu.memory_space<smem>>) -> (i32, i32) {
    %c0_i32 = arith.constant 0 : i32
    %c0_i32_0 = arith.constant 0 : i32
    %c0_i32_1 = arith.constant 0 : i32
    return %c0_i32, %c0_i32_0 : i32, i32
  }
  func.func @transform_5(%arg0: i32, %arg1: memref<1xi32, #tpu.memory_space<smem>>) -> (i32, i32) {
    %c0_i32 = arith.constant 0 : i32
    %c0_i32_0 = arith.constant 0 : i32
    %c0_i32_1 = arith.constant 0 : i32
    return %c0_i32, %c0_i32_0 : i32, i32
  }
  func.func @transform_6(%arg0: i32, %arg1: memref<1xi32, #tpu.memory_space<smem>>) -> (i32, i32) {
    %c0_i32 = arith.constant 0 : i32
    %c0_i32_0 = arith.constant 0 : i32
    %c0_i32_1 = arith.constant 0 : i32
    return %c0_i32, %c0_i32_0 : i32, i32
  }
  func.func @transform_7(%arg0: i32, %arg1: memref<1xi32, #tpu.memory_space<smem>>) -> (i32, i32) {
    %c0_i32 = arith.constant 0 : i32
    %c0_i32_0 = arith.constant 0 : i32
    %c0_i32_1 = arith.constant 0 : i32
    return %c0_i32, %c0_i32_0 : i32, i32
  }
  func.func @transform_8(%arg0: i32, %arg1: memref<1xi32, #tpu.memory_space<smem>>) -> (i32, i32) {
    %c0_i32 = arith.constant 0 : i32
    %c0_i32_0 = arith.constant 0 : i32
    %c0_i32_1 = arith.constant 0 : i32
    return %c0_i32, %c0_i32_0 : i32, i32
  }
  func.func @transform_9(%arg0: i32, %arg1: memref<1xi32, #tpu.memory_space<smem>>) -> (i32, i32) {
    %c0_i32 = arith.constant 0 : i32
    %c0_i32_0 = arith.constant 0 : i32
    %c0_i32_1 = arith.constant 0 : i32
    return %c0_i32, %c0_i32_0 : i32, i32
  }
  func.func @transform_10(%arg0: i32, %arg1: memref<1xi32, #tpu.memory_space<smem>>) -> (i32, i32) {
    %c0_i32 = arith.constant 0 : i32
    %c0_i32_0 = arith.constant 0 : i32
    %c0_i32_1 = arith.constant 0 : i32
    return %c0_i32, %c0_i32_0 : i32, i32
  }
  func.func @transform_11(%arg0: i32, %arg1: memref<1xi32, #tpu.memory_space<smem>>) -> (i32, i32) {
    %c0_i32 = arith.constant 0 : i32
    %c0_i32_0 = arith.constant 0 : i32
    %c0_i32_1 = arith.constant 0 : i32
    return %c0_i32, %c0_i32_0 : i32, i32
  }
  func.func @transform_12(%arg0: i32, %arg1: memref<1xi32, #tpu.memory_space<smem>>) -> (i32, i32) {
    %c0_i32 = arith.constant 0 : i32
    %c0_i32_0 = arith.constant 0 : i32
    %c0_i32_1 = arith.constant 0 : i32
    return %c0_i32, %c0_i32_0 : i32, i32
  }
  func.func @transform_13(%arg0: i32, %arg1: memref<1xi32, #tpu.memory_space<smem>>) -> (i32, i32) {
    %c0_i32 = arith.constant 0 : i32
    %c0_i32_0 = arith.constant 0 : i32
    %c0_i32_1 = arith.constant 0 : i32
    return %c0_i32, %c0_i32_0 : i32, i32
  }
}

module attributes {stable_mosaic.version = 14 : i64} {
  func.func @_mlp_body(%arg0: i32, %arg1: memref<1xi32, #tpu.memory_space<smem>>, %arg2: memref<8x512xf32, #tpu.memory_space<vmem>>, %arg3: memref<2048x256xi32, #tpu.memory_space<vmem>>, %arg4: memref<2048x256xi32, #tpu.memory_space<vmem>>, %arg5: memref<512x512xf32, #tpu.memory_space<vmem>>, %arg6: memref<512x256xbf16, #tpu.memory_space<vmem>>, %arg7: memref<512x256xbf16, #tpu.memory_space<vmem>>, %arg8: memref<512x256xbf16, #tpu.memory_space<vmem>>, %arg9: memref<512x256xbf16, #tpu.memory_space<vmem>>, %arg10: memref<1x512xf32, #tpu.memory_space<vmem>>, %arg11: memref<512x512xf32, #tpu.memory_space<vmem>>, %arg12: memref<512x512xf32, #tpu.memory_space<vmem>>, %arg13: memref<1x512xf32, #tpu.memory_space<vmem>>, %arg14: memref<1x512xf32, #tpu.memory_space<vmem>>, %arg15: memref<1x512xf32, #tpu.memory_space<vmem>>, %arg16: memref<1x512xf32, #tpu.memory_space<vmem>>) attributes {dimension_semantics = [#tpu.dimension_semantics<arbitrary>], iteration_bounds = array<i64: 8>, scalar_prefetch = 1 : i64, scratch_operands = 1 : i64, tpu.core_type = #tpu.core_type<tc>, window_params = [{transform_indices = @transform_0, window_bounds = array<i64: 8, 512>}, {transform_indices = @transform_1, window_bounds = array<i64: 2048, 256>}, {transform_indices = @transform_2, window_bounds = array<i64: 2048, 256>}, {pipeline_mode = #tpu.pipeline_mode<synchronous>, transform_indices = @transform_3, window_bounds = array<i64: 512, 512>}, {pipeline_mode = #tpu.pipeline_mode<synchronous>, transform_indices = @transform_4, window_bounds = array<i64: 512, 256>}, {pipeline_mode = #tpu.pipeline_mode<synchronous>, transform_indices = @transform_5, window_bounds = array<i64: 512, 256>}, {pipeline_mode = #tpu.pipeline_mode<synchronous>, transform_indices = @transform_6, window_bounds = array<i64: 512, 256>}, {pipeline_mode = #tpu.pipeline_mode<synchronous>, transform_indices = @transform_7, window_bounds = array<i64: 512, 256>}, {pipeline_mode = #tpu.pipeline_mode<synchronous>, transform_indices = @transform_8, window_bounds = array<i64: 1, 512>}, {pipeline_mode = #tpu.pipeline_mode<synchronous>, transform_indices = @transform_9, window_bounds = array<i64: 512, 512>}, {pipeline_mode = #tpu.pipeline_mode<synchronous>, transform_indices = @transform_10, window_bounds = array<i64: 512, 512>}, {pipeline_mode = #tpu.pipeline_mode<synchronous>, transform_indices = @transform_11, window_bounds = array<i64: 1, 512>}, {pipeline_mode = #tpu.pipeline_mode<synchronous>, transform_indices = @transform_12, window_bounds = array<i64: 1, 512>}, {pipeline_mode = #tpu.pipeline_mode<synchronous>, transform_indices = @transform_13, window_bounds = array<i64: 1, 512>}]} {
    %get3A = arith.constant 0 : index
    %get3A_0 = memref.load %arg1[%get3A] : memref<1xi32, #tpu.memory_space<smem>>
    %jit3A = arith.constant 8 : i32
    %eq3A = arith.constant 0 : i32
    %eq3A_1 = arith.cmpi eq, %jit3A, %eq3A : i32
    %jit3A_2 = arith.constant 1 : i32
    %select_n3A = arith.select %eq3A_1, %jit3A_2, %jit3A : i32
    %rem3A = arith.remsi %get3A_0, %select_n3A : i32
    %ne3A = arith.constant 0 : i32
    %ne3A_3 = arith.cmpi ne, %rem3A, %ne3A : i32
    %lt3A = arith.constant 0 : i32
    %lt3A_4 = arith.cmpi slt, %rem3A, %lt3A : i32
    %lt3A_5 = arith.constant 0 : i32
    %lt3A_6 = arith.cmpi slt, %select_n3A, %lt3A_5 : i32
    %ne3A_7 = arith.xori %lt3A_4, %lt3A_6 : i1
    %and3A = arith.andi %ne3A_7, %ne3A_3 : i1
    %add3A = arith.addi %rem3A, %select_n3A : i32
    %select_n3A_8 = arith.select %and3A, %add3A, %rem3A : i32
    %get3A_9 = arith.index_cast %select_n3A_8 : i32 to index
    %get3A_10 = arith.constant 0 : index
    %get3A_11 = vector.load %arg2[%get3A_9, %get3A_10] : memref<8x512xf32, #tpu.memory_space<vmem>>, vector<1x512xf32>
    %get3A_12 = arith.constant 0 : index
    %get3A_13 = arith.constant 0 : index
    %get3A_14 = vector.load %arg5[%get3A_12, %get3A_13] : memref<512x512xf32, #tpu.memory_space<vmem>>, vector<512x512xf32>
    %dot_general3A = arith.constant dense<0.000000e+00> : vector<1x512xf32>
    %dot_general3A_15 = tpu.matmul %get3A_11, %get3A_14, %dot_general3A {dimension_numbers = #tpu.dot_dimension_numbers<[1], [1], [0], [0], [0, 0, 1, 0], [], []>, transpose_lhs_hint = false} : vector<1x512xf32>, vector<512x512xf32>, vector<1x512xf32> -> vector<1x512xf32>
    %get3A_16 = arith.constant 0 : index
    %get3A_17 = arith.constant 0 : index
    %get3A_18 = vector.load %arg10[%get3A_16, %get3A_17] : memref<1x512xf32, #tpu.memory_space<vmem>>, vector<1x512xf32>
    %add3A_19 = arith.addf %dot_general3A_15, %get3A_18 : vector<1x512xf32>
    %get3A_20 = arith.constant 0 : index
    %get3A_21 = arith.constant 0 : index
    %get3A_22 = vector.load %arg3[%get3A_20, %get3A_21] : memref<2048x256xi32, #tpu.memory_space<vmem>>, vector<2048x256xi32>
    %shift_left3A = arith.constant 16 : i32
    %shift_left3A_23 = vector.broadcast %shift_left3A : i32 to vector<2048x256xi32>
    %shift_left3A_24 = arith.shli %get3A_22, %shift_left3A_23 : vector<2048x256xi32>
    %bitcast_convert_type3A = tpu.bitcast %shift_left3A_24 : vector<2048x256xi32> -> vector<2048x256xf32>
    %and3A_25 = arith.constant -65536 : i32
    %and3A_26 = vector.broadcast %and3A_25 : i32 to vector<2048x256xi32>
    %and3A_27 = arith.andi %get3A_22, %and3A_26 : vector<2048x256xi32>
    %bitcast_convert_type3A_28 = tpu.bitcast %and3A_27 : vector<2048x256xi32> -> vector<2048x256xf32>
    %convert_element_type3A = arith.truncf %bitcast_convert_type3A : vector<2048x256xf32> to vector<2048x256xbf16>
    %convert_element_type3A_29 = arith.truncf %bitcast_convert_type3A_28 : vector<2048x256xf32> to vector<2048x256xbf16>
    %get3A_30 = arith.constant 0 : index
    %get3A_31 = arith.constant 0 : index
    %get3A_32 = vector.load %arg4[%get3A_30, %get3A_31] : memref<2048x256xi32, #tpu.memory_space<vmem>>, vector<2048x256xi32>
    %shift_left3A_33 = arith.constant 16 : i32
    %shift_left3A_34 = vector.broadcast %shift_left3A_33 : i32 to vector<2048x256xi32>
    %shift_left3A_35 = arith.shli %get3A_32, %shift_left3A_34 : vector<2048x256xi32>
    %bitcast_convert_type3A_36 = tpu.bitcast %shift_left3A_35 : vector<2048x256xi32> -> vector<2048x256xf32>
    %and3A_37 = arith.constant -65536 : i32
    %and3A_38 = vector.broadcast %and3A_37 : i32 to vector<2048x256xi32>
    %and3A_39 = arith.andi %get3A_32, %and3A_38 : vector<2048x256xi32>
    %bitcast_convert_type3A_40 = tpu.bitcast %and3A_39 : vector<2048x256xi32> -> vector<2048x256xf32>
    %convert_element_type3A_41 = arith.truncf %bitcast_convert_type3A_36 : vector<2048x256xf32> to vector<2048x256xbf16>
    %convert_element_type3A_42 = arith.truncf %bitcast_convert_type3A_40 : vector<2048x256xf32> to vector<2048x256xbf16>
    %get3A_43 = arith.constant 0 : index
    %get3A_44 = arith.constant 0 : index
    %get3A_45 = vector.load %arg6[%get3A_43, %get3A_44] : memref<512x256xbf16, #tpu.memory_space<vmem>>, vector<512x256xbf16>
    %dot_general3A_46 = arith.constant dense<0.000000e+00> : vector<2048x512xf32>
    %dot_general3A_47 = tpu.matmul %convert_element_type3A, %get3A_45, %dot_general3A_46 {dimension_numbers = #tpu.dot_dimension_numbers<[1], [1], [0], [0], [0, 0, 1, 0], [], []>, transpose_lhs_hint = false} : vector<2048x256xbf16>, vector<512x256xbf16>, vector<2048x512xf32> -> vector<2048x512xf32>
    %get3A_48 = arith.constant 0 : index
    %get3A_49 = arith.constant 0 : index
    %get3A_50 = vector.load %arg7[%get3A_48, %get3A_49] : memref<512x256xbf16, #tpu.memory_space<vmem>>, vector<512x256xbf16>
    %dot_general3A_51 = arith.constant dense<0.000000e+00> : vector<2048x512xf32>
    %dot_general3A_52 = tpu.matmul %convert_element_type3A_29, %get3A_50, %dot_general3A_51 {dimension_numbers = #tpu.dot_dimension_numbers<[1], [1], [0], [0], [0, 0, 1, 0], [], []>, transpose_lhs_hint = false} : vector<2048x256xbf16>, vector<512x256xbf16>, vector<2048x512xf32> -> vector<2048x512xf32>
    %add3A_53 = arith.addf %dot_general3A_47, %dot_general3A_52 : vector<2048x512xf32>
    %get3A_54 = arith.constant 0 : index
    %get3A_55 = arith.constant 0 : index
    %get3A_56 = vector.load %arg8[%get3A_54, %get3A_55] : memref<512x256xbf16, #tpu.memory_space<vmem>>, vector<512x256xbf16>
    %dot_general3A_57 = arith.constant dense<0.000000e+00> : vector<2048x512xf32>
    %dot_general3A_58 = tpu.matmul %convert_element_type3A_41, %get3A_56, %dot_general3A_57 {dimension_numbers = #tpu.dot_dimension_numbers<[1], [1], [0], [0], [0, 0, 1, 0], [], []>, transpose_lhs_hint = false} : vector<2048x256xbf16>, vector<512x256xbf16>, vector<2048x512xf32> -> vector<2048x512xf32>
    %add3A_59 = arith.addf %add3A_53, %dot_general3A_58 : vector<2048x512xf32>
    %get3A_60 = arith.constant 0 : index
    %get3A_61 = arith.constant 0 : index
    %get3A_62 = vector.load %arg9[%get3A_60, %get3A_61] : memref<512x256xbf16, #tpu.memory_space<vmem>>, vector<512x256xbf16>
    %dot_general3A_63 = arith.constant dense<0.000000e+00> : vector<2048x512xf32>
    %dot_general3A_64 = tpu.matmul %convert_element_type3A_42, %get3A_62, %dot_general3A_63 {dimension_numbers = #tpu.dot_dimension_numbers<[1], [1], [0], [0], [0, 0, 1, 0], [], []>, transpose_lhs_hint = false} : vector<2048x256xbf16>, vector<512x256xbf16>, vector<2048x512xf32> -> vector<2048x512xf32>
    %add3A_65 = arith.addf %add3A_59, %dot_general3A_64 : vector<2048x512xf32>
    %add3A_66 = vector.broadcast %add3A_19 : vector<1x512xf32> to vector<2048x512xf32>
    %add3A_67 = arith.addf %add3A_65, %add3A_66 : vector<2048x512xf32>
    %ge3A = arith.constant 0.000000e+00 : f32
    %ge3A_68 = vector.broadcast %ge3A : f32 to vector<2048x512xf32>
    %ge3A_69 = arith.cmpf oge, %add3A_67, %ge3A_68 : vector<2048x512xf32>
    %mul3A = arith.constant 2.000000e-01 : f32
    %mul3A_70 = vector.broadcast %mul3A : f32 to vector<2048x512xf32>
    %mul3A_71 = arith.mulf %mul3A_70, %add3A_67 : vector<2048x512xf32>
    %select_n3A_72 = arith.select %ge3A_69, %add3A_67, %mul3A_71 : vector<2048x512xi1>, vector<2048x512xf32>
    %reduce_sum3A = arith.constant dense<0.000000e+00> : vector<512xf32>
    %reduce_sum3A_73 = vector.multi_reduction <add>, %select_n3A_72, %reduce_sum3A [0] : vector<2048x512xf32> to vector<512xf32>
    %broadcast_in_dim3A = vector.shape_cast %reduce_sum3A_73 : vector<512xf32> to vector<1x512xf32>
    %eq3A_74 = arith.constant 0 : i32
    %eq3A_75 = arith.cmpi eq, %arg0, %eq3A_74 : i32
    %convert_element_type3A_76 = arith.extui %eq3A_75 : i1 to i32
    %cond3A = arith.constant 0 : i32
    %cond3A_77 = arith.cmpi ne, %convert_element_type3A_76, %cond3A : i32
    scf.if %cond3A_77 {
      %get3A_87 = arith.constant 0 : index
      %get3A_88 = arith.constant 0 : index
      %get3A_89 = vector.load %arg14[%get3A_87, %get3A_88] : memref<1x512xf32, #tpu.memory_space<vmem>>, vector<1x512xf32>
      %add3A_90 = arith.addf %broadcast_in_dim3A, %get3A_89 : vector<1x512xf32>
      %swap3A = arith.constant 0 : index
      %swap3A_91 = arith.constant 0 : index
      %swap3A_92 = vector.load %arg16[%swap3A, %swap3A_91] : memref<1x512xf32, #tpu.memory_space<vmem>>, vector<1x512xf32>
      tpu.vector_store %arg16[%swap3A, %swap3A_91], %add3A_90 {strides = array<i32>} : memref<1x512xf32, #tpu.memory_space<vmem>>, vector<1x512xf32>,
    } else {
    }
    %gt3A = arith.constant 0 : i32
    %gt3A_78 = arith.cmpi sgt, %arg0, %gt3A : i32
    %convert_element_type3A_79 = arith.extui %gt3A_78 : i1 to i32
    %cond3A_80 = arith.constant 0 : i32
    %cond3A_81 = arith.cmpi ne, %convert_element_type3A_79, %cond3A_80 : i32
    scf.if %cond3A_81 {
      %get3A_87 = arith.constant 0 : index
      %get3A_88 = arith.constant 0 : index
      %get3A_89 = vector.load %arg16[%get3A_87, %get3A_88] : memref<1x512xf32, #tpu.memory_space<vmem>>, vector<1x512xf32>
      %add3A_90 = arith.addf %get3A_89, %broadcast_in_dim3A : vector<1x512xf32>
      %swap3A = arith.constant 0 : index
      %swap3A_91 = arith.constant 0 : index
      %swap3A_92 = vector.load %arg16[%swap3A, %swap3A_91] : memref<1x512xf32, #tpu.memory_space<vmem>>, vector<1x512xf32>
      tpu.vector_store %arg16[%swap3A, %swap3A_91], %add3A_90 {strides = array<i32>} : memref<1x512xf32, #tpu.memory_space<vmem>>, vector<1x512xf32>,
    } else {
    }
    %eq3A_82 = arith.constant 7 : i32
    %eq3A_83 = arith.cmpi eq, %arg0, %eq3A_82 : i32
    %convert_element_type3A_84 = arith.extui %eq3A_83 : i1 to i32
    %cond3A_85 = arith.constant 0 : i32
    %cond3A_86 = arith.cmpi ne, %convert_element_type3A_84, %cond3A_85 : i32
    scf.if %cond3A_86 {
      %get3A_87 = arith.constant 0 : index
      %get3A_88 = arith.constant 0 : index
      %get3A_89 = vector.load %arg16[%get3A_87, %get3A_88] : memref<1x512xf32, #tpu.memory_space<vmem>>, vector<1x512xf32>
      %get3A_90 = arith.constant 0 : index
      %get3A_91 = arith.constant 0 : index
      %get3A_92 = vector.load %arg11[%get3A_90, %get3A_91] : memref<512x512xf32, #tpu.memory_space<vmem>>, vector<512x512xf32>
      %dot_general3A_93 = arith.constant dense<0.000000e+00> : vector<1x512xf32>
      %dot_general3A_94 = tpu.matmul %get3A_11, %get3A_92, %dot_general3A_93 {dimension_numbers = #tpu.dot_dimension_numbers<[1], [1], [0], [0], [0, 0, 1, 0], [], []>, transpose_lhs_hint = false} : vector<1x512xf32>, vector<512x512xf32>, vector<1x512xf32> -> vector<1x512xf32>
      %get3A_95 = arith.constant 0 : index
      %get3A_96 = arith.constant 0 : index
      %get3A_97 = vector.load %arg12[%get3A_95, %get3A_96] : memref<512x512xf32, #tpu.memory_space<vmem>>, vector<512x512xf32>
      %dot_general3A_98 = arith.constant dense<0.000000e+00> : vector<1x512xf32>
      %dot_general3A_99 = tpu.matmul %get3A_89, %get3A_97, %dot_general3A_98 {dimension_numbers = #tpu.dot_dimension_numbers<[1], [1], [0], [0], [0, 0, 1, 0], [], []>, transpose_lhs_hint = false} : vector<1x512xf32>, vector<512x512xf32>, vector<1x512xf32> -> vector<1x512xf32>
      %add3A_100 = arith.addf %dot_general3A_94, %dot_general3A_99 : vector<1x512xf32>
      %get3A_101 = arith.constant 0 : index
      %get3A_102 = arith.constant 0 : index
      %get3A_103 = vector.load %arg13[%get3A_101, %get3A_102] : memref<1x512xf32, #tpu.memory_space<vmem>>, vector<1x512xf32>
      %add3A_104 = arith.addf %add3A_100, %get3A_103 : vector<1x512xf32>
      %ge3A_105 = arith.constant 0.000000e+00 : f32
      %ge3A_106 = vector.broadcast %ge3A_105 : f32 to vector<1x512xf32>
      %ge3A_107 = arith.cmpf oge, %add3A_104, %ge3A_106 : vector<1x512xf32>
      %mul3A_108 = arith.constant 2.000000e-01 : f32
      %mul3A_109 = vector.broadcast %mul3A_108 : f32 to vector<1x512xf32>
      %mul3A_110 = arith.mulf %mul3A_109, %add3A_104 : vector<1x512xf32>
      %select_n3A_111 = arith.select %ge3A_107, %add3A_104, %mul3A_110 : vector<1x512xi1>, vector<1x512xf32>
      %swap3A = arith.constant 0 : index
      %swap3A_112 = arith.constant 0 : index
      %swap3A_113 = vector.load %arg15[%swap3A, %swap3A_112] : memref<1x512xf32, #tpu.memory_space<vmem>>, vector<1x512xf32>
      tpu.vector_store %arg15[%swap3A, %swap3A_112], %select_n3A_111 {strides = array<i32>} : memref<1x512xf32, #tpu.memory_space<vmem>>, vector<1x512xf32>,
    } else {
    }
    return
  }
  func.func @transform_0(%arg0: i32, %arg1: memref<1xi32, #tpu.memory_space<smem>>) -> (i32, i32) {
    %get3A = arith.constant 0 : index
    %get3A_0 = memref.load %arg1[%get3A] : memref<1xi32, #tpu.memory_space<smem>>
    %jit3A = arith.constant 8 : i32
    %div3A = arith.divsi %get3A_0, %jit3A : i32
    %sign3A = arith.constant 0 : i32
    %sign3A_1 = arith.cmpi sgt, %get3A_0, %sign3A : i32
    %sign3A_2 = arith.extui %sign3A_1 : i1 to i32
    %sign3A_3 = arith.constant 0 : i32
    %sign3A_4 = arith.cmpi slt, %get3A_0, %sign3A_3 : i32
    %sign3A_5 = arith.extui %sign3A_4 : i1 to i32
    %sign3A_6 = arith.subi %sign3A_2, %sign3A_5 : i32
    %sign3A_7 = arith.constant 0 : i32
    %sign3A_8 = arith.cmpi sgt, %jit3A, %sign3A_7 : i32
    %sign3A_9 = arith.extui %sign3A_8 : i1 to i32
    %sign3A_10 = arith.constant 0 : i32
    %sign3A_11 = arith.cmpi slt, %jit3A, %sign3A_10 : i32
    %sign3A_12 = arith.extui %sign3A_11 : i1 to i32
    %sign3A_13 = arith.subi %sign3A_9, %sign3A_12 : i32
    %ne3A = arith.cmpi ne, %sign3A_6, %sign3A_13 : i32
    %rem3A = arith.remsi %get3A_0, %jit3A : i32
    %ne3A_14 = arith.constant 0 : i32
    %ne3A_15 = arith.cmpi ne, %rem3A, %ne3A_14 : i32
    %and3A = arith.andi %ne3A, %ne3A_15 : i1
    %sub3A = arith.constant 1 : i32
    %sub3A_16 = arith.subi %div3A, %sub3A : i32
    %select_n3A = arith.select %and3A, %sub3A_16, %div3A : i32
    %c0_i32 = arith.constant 0 : i32
    %c0_i32_17 = arith.constant 0 : i32
    return %select_n3A, %c0_i32 : i32, i32
  }
  func.func @transform_1(%arg0: i32, %arg1: memref<1xi32, #tpu.memory_space<smem>>) -> (i32, i32) {
    %c0_i32 = arith.constant 0 : i32
    %c0_i32_0 = arith.constant 0 : i32
    return %arg0, %c0_i32 : i32, i32
  }
  func.func @transform_2(%arg0: i32, %arg1: memref<1xi32, #tpu.memory_space<smem>>) -> (i32, i32) {
    %add3A = arith.constant 8 : i32
    %add3A_0 = arith.addi %add3A, %arg0 : i32
    %c0_i32 = arith.constant 0 : i32
    %c0_i32_1 = arith.constant 0 : i32
    return %add3A_0, %c0_i32 : i32, i32
  }
  func.func @transform_3(%arg0: i32, %arg1: memref<1xi32, #tpu.memory_space<smem>>) -> (i32, i32) {
    %c0_i32 = arith.constant 0 : i32
    %c0_i32_0 = arith.constant 0 : i32
    %c0_i32_1 = arith.constant 0 : i32
    return %c0_i32, %c0_i32_0 : i32, i32
  }
  func.func @transform_4(%arg0: i32, %arg1: memref<1xi32, #tpu.memory_space<smem>>) -> (i32, i32) {
    %c0_i32 = arith.constant 0 : i32
    %c0_i32_0 = arith.constant 0 : i32
    %c0_i32_1 = arith.constant 0 : i32
    return %c0_i32, %c0_i32_0 : i32, i32
  }
  func.func @transform_5(%arg0: i32, %arg1: memref<1xi32, #tpu.memory_space<smem>>) -> (i32, i32) {
    %c0_i32 = arith.constant 0 : i32
    %c0_i32_0 = arith.constant 0 : i32
    %c0_i32_1 = arith.constant 0 : i32
    return %c0_i32, %c0_i32_0 : i32, i32
  }
  func.func @transform_6(%arg0: i32, %arg1: memref<1xi32, #tpu.memory_space<smem>>) -> (i32, i32) {
    %c0_i32 = arith.constant 0 : i32
    %c0_i32_0 = arith.constant 0 : i32
    %c0_i32_1 = arith.constant 0 : i32
    return %c0_i32, %c0_i32_0 : i32, i32
  }
  func.func @transform_7(%arg0: i32, %arg1: memref<1xi32, #tpu.memory_space<smem>>) -> (i32, i32) {
    %c0_i32 = arith.constant 0 : i32
    %c0_i32_0 = arith.constant 0 : i32
    %c0_i32_1 = arith.constant 0 : i32
    return %c0_i32, %c0_i32_0 : i32, i32
  }
  func.func @transform_8(%arg0: i32, %arg1: memref<1xi32, #tpu.memory_space<smem>>) -> (i32, i32) {
    %c0_i32 = arith.constant 0 : i32
    %c0_i32_0 = arith.constant 0 : i32
    %c0_i32_1 = arith.constant 0 : i32
    return %c0_i32, %c0_i32_0 : i32, i32
  }
  func.func @transform_9(%arg0: i32, %arg1: memref<1xi32, #tpu.memory_space<smem>>) -> (i32, i32) {
    %c0_i32 = arith.constant 0 : i32
    %c0_i32_0 = arith.constant 0 : i32
    %c0_i32_1 = arith.constant 0 : i32
    return %c0_i32, %c0_i32_0 : i32, i32
  }
  func.func @transform_10(%arg0: i32, %arg1: memref<1xi32, #tpu.memory_space<smem>>) -> (i32, i32) {
    %c0_i32 = arith.constant 0 : i32
    %c0_i32_0 = arith.constant 0 : i32
    %c0_i32_1 = arith.constant 0 : i32
    return %c0_i32, %c0_i32_0 : i32, i32
  }
  func.func @transform_11(%arg0: i32, %arg1: memref<1xi32, #tpu.memory_space<smem>>) -> (i32, i32) {
    %c0_i32 = arith.constant 0 : i32
    %c0_i32_0 = arith.constant 0 : i32
    %c0_i32_1 = arith.constant 0 : i32
    return %c0_i32, %c0_i32_0 : i32, i32
  }
  func.func @transform_12(%arg0: i32, %arg1: memref<1xi32, #tpu.memory_space<smem>>) -> (i32, i32) {
    %c0_i32 = arith.constant 0 : i32
    %c0_i32_0 = arith.constant 0 : i32
    %c0_i32_1 = arith.constant 0 : i32
    return %c0_i32, %c0_i32_0 : i32, i32
  }
  func.func @transform_13(%arg0: i32, %arg1: memref<1xi32, #tpu.memory_space<smem>>) -> (i32, i32) {
    %c0_i32 = arith.constant 0 : i32
    %c0_i32_0 = arith.constant 0 : i32
    %c0_i32_1 = arith.constant 0 : i32
    return %c0_i32, %c0_i32_0 : i32, i32
  }
}

</mosaic_0001>

<sc_bundles>
// kernel: kernel.6.cloned.1.call-start
scs
__scs_entry_jumppad:
0x0: {  	(pc) =	sbr.rel $0x88, $3  }
0x1: {  	(tag) =	ssettag $0x0;
	lr =	simm.s32 $0x1  }
0x2: {  	[smem:$0x3F99] =	sst lr;
	_ =	strace $0xD0000000  }
0x3: {  	_ = 	snop  }
0x4: {  	_ = 	snop  }
0x5: {  	_ = 	snop  }
0x6: {  	_ = 	snop  }
0x7: {  	_ = 	snop  }
__scs_overlays_trampoline_lowered:
0x8: {  	[smem:$0x3FA8] =	sst s0  }
0x9: {  	[smem:$0x3FA9] =	sst s1  }
0xa: {  	[smem:$0x3FAA] =	sst s2  }
0xb: {  	[smem:$0x3FAB] =	sst s3  }
0xc: {  	[smem:$0x3FAC] =	sst s4  }
0xd: {  	[smem:$0x3FAD] =	sst s5  }
0xe: {  	[smem:$0x3FAE] =	sst s6  }
0xf: {  	[smem:$0x3FAF] =	sst s7  }
0x10: {  	[smem:$0x3FB0] =	sst s8  }
0x11: {  	[smem:$0x3FB1] =	sst s9;
	s0 =	simm.s32 @!p0 $0x0  }
0x12: {  	s1 =	sld [smem:$0x3F97];
	s0 =	simm.s32 @p0 $0x1  }
0x13: {  	[smem:$0x3FB2] =	sst s0;
	s0 =	simm.s32 @!p1 $0x0  }
0x14: {  	s2 =	sld [smem:$0x3F96];
	s0 =	simm.s32 @p1 $0x1  }
0x15: {  	[smem:$0x3FB3] =	sst s0;
	s0 =	simm.s32 @!p2 $0x0  }
0x16: {  	s3 =	sld [smem:$0x3FDB];
	s0 =	simm.s32 @p2 $0x1  }
0x17: {  	s4 =	simm.s32 $0x1BF5;
	[smem:$0x3FB5] =	sst s0  }
0x18: {  	s0 =	sld [smem:$0x3F98];
	_ =	swait.ge [sflag:s4], $0x0  }
0x19: {  	s7 =	sld [smem:$0x3F99]  }
0x1a: {  	s8 =	sadd.s32 $0xFFFFE003, lr  }
0x1b: {  	s9 =	sadd.s32 $0xFFFFFEF7, lr;
	s5 =	simm.s32 $0xFFFFFFFF;
	p2 =	slt.u32 s8, $0xFFFFF086  }
0x1c: {  	p1 =	slt.u32 s9, $0xF7A;
	s5 =	simm.s32 @!p2 $0x0  }
0x1d: {  	s5 =	simm.s32 @p1 $0x1;
	p0 =	seq.s32 s7, s2  }
0x1e: {  	s7 =	smul.u32 @!p0 $0xF7A, s2;
	p2 =	seq.s32 @!p0 s5, $0x0  }
0x1f: {  	s9 =	smul.u32 $0xF7A, s1;
	s8 =	simm.s32 @!p0 $0x1BF5;
	p2 =	por !p2, p0  }
0x20: {  	[sflag:s8] =	ssyncset.s32 @!p0 $0xFFFFF086;
	s6 =	sadd.s32 @!p0 s3, s7;
	s7 =	simm.s32 @!p0 $0x108  }
0x21: {  	s3 =	sadd.s32 s3, s9;
	s6 =	sadd.s32 @!p0 $0x88, s6;
	s7 =	simm.s32 @p2 $0x1082  }
0x22: {  	[simem:s7], [sflag:s8] =	dma.local @!p0 [hbm:s6], $0xF7A  }
0x23: {  	s9 =	sor.u32 $0xD0000000, s2;
	s6 =	simm.s32 $0x108;
	_ =	swait.ge @!p0 [sflag:s8], $0x0  }
0x24: {  	s3 =	sadd.s32 $0x88, s3;
	s6 =	simm.s32 @!p1 $0x1082;
	[sflag:s4] =	ssyncset.s32 $0xFFFFF086  }
0x25: {  	[simem:s6], [sflag:s4] =	dma.local [hbm:s3], $0xF7A  }
0x26: {  	[smem:$0x3F99] =	sst s1;
	(tag) =	ssettag s2;
	_ =	strace s9  }
0x27: {  	s1 =	sld [smem:$0x3FA9]  }
0x28: {  	s2 =	sld [smem:$0x3FAA]  }
0x29: {  	s4 =	sld [smem:$0x3FAC]  }
0x2a: {  	p0 =	seq.s32 s5, $0x0;
	s5 =	sld [smem:$0x3FAD]  }
0x2b: {  	s6 =	sld [smem:$0x3FAE]  }
0x2c: {  	s7 =	sld [smem:$0x3FAF]  }
0x2d: {  	s3 =	simm.s32 $0x108;
	s8 =	sld [smem:$0x3FB0]  }
0x2e: {  	s3 =	simm.s32 @!p0 $0x1082;
	s9 =	sld [smem:$0x3FB1]  }
0x2f: {  	lr =	sadd.s32 s0, s3;
	s0 =	sld [smem:$0x3FA8]  }
0x30: {  	s3 =	sld [smem:$0x3FAB]  }
0x31: {  	[smem:$0x3FB4] =	sst s10  }
0x32: {  	s10 =	sld [smem:$0x3FB2];
	_ =	sdelay $0x3  }
0x33: {  	p0 =	seq.s32 s10, $0x1;
	s10 =	sld [smem:$0x3FB4];
	_ =	sdelay $0x3  }
0x34: {  	[smem:$0x3FB4] =	sst s10  }
0x35: {  	s10 =	sld [smem:$0x3FB3];
	_ =	sdelay $0x3  }
0x36: {  	p1 =	seq.s32 s10, $0x1;
	s10 =	sld [smem:$0x3FB4];
	_ =	sdelay $0x3  }
0x37: {  	[smem:$0x3FB4] =	sst s10  }
0x38: {  	s10 =	sld [smem:$0x3FB5]  }
0x39: {  	_ = 	snop;
	(pc) =	sbr.ind lr, $3  }
0x3a: {  	_ = 	snop  }
0x3b: {  	_ = 	snop  }
0x3c: {  	p2 =	seq.s32 s10, $0x1;
	s10 =	sld [smem:$0x3FB4]  }
0x3d: {  	_ =	shalt  }
0x3e: {  	_ =	shalt  }
0x3f: {  	_ =	shalt  }
0x40: {  	_ =	shalt  }
0x41: {  	_ =	shalt  }
0x42: {  	_ =	shalt  }
0x43: {  	_ =	shalt  }
0x44: {  	_ =	shalt  }
0x45: {  	_ =	shalt  }
0x46: {  	_ =	shalt  }
0x47: {  	_ =	shalt  }
0x48: {  	_ =	shalt  }
0x49: {  	_ =	shalt  }
0x4a: {  	_ =	shalt  }
0x4b: {  	_ =	shalt  }
0x4c: {  	_ =	shalt  }
0x4d: {  	_ =	shalt  }
0x4e: {  	_ =	shalt  }
0x4f: {  	_ =	shalt  }
0x50: {  	_ =	shalt  }
0x51: {  	_ =	shalt  }
0x52: {  	_ =	shalt  }
0x53: {  	_ =	shalt  }
0x54: {  	_ =	shalt  }
0x55: {  	_ =	shalt  }
0x56: {  	_ =	shalt  }
0x57: {  	_ =	shalt  }
0x58: {  	_ =	shalt  }
0x59: {  	_ =	shalt  }
0x5a: {  	_ =	shalt  }
0x5b: {  	_ =	shalt  }
0x5c: {  	_ =	shalt  }
0x5d: {  	_ =	shalt  }
0x5e: {  	_ =	shalt  }
0x5f: {  	_ =	shalt  }
0x60: {  	_ =	shalt  }
0x61: {  	_ =	shalt  }
0x62: {  	_ =	shalt  }
0x63: {  	_ =	shalt  }
0x64: {  	_ =	shalt  }
0x65: {  	_ =	shalt  }
0x66: {  	_ =	shalt  }
0x67: {  	_ =	shalt  }
0x68: {  	_ =	shalt  }
0x69: {  	_ =	shalt  }
0x6a: {  	_ =	shalt  }
0x6b: {  	_ =	shalt  }
0x6c: {  	_ =	shalt  }
0x6d: {  	_ =	shalt  }
0x6e: {  	_ =	shalt  }
0x6f: {  	_ =	shalt  }
0x70: {  	_ =	shalt  }
0x71: {  	_ =	shalt  }
0x72: {  	_ =	shalt  }
0x73: {  	_ =	shalt  }
0x74: {  	_ =	shalt  }
0x75: {  	_ =	shalt  }
0x76: {  	_ =	shalt  }
0x77: {  	_ =	shalt  }
0x78: {  	_ =	shalt  }
0x79: {  	_ =	shalt  }
0x7a: {  	_ =	shalt  }
0x7b: {  	_ =	shalt  }
0x7c: {  	_ =	shalt  }
0x7d: {  	_ =	shalt  }
0x7e: {  	_ =	shalt  }
0x7f: {  	_ =	shalt  }
0x80: {  	_ =	shalt  }
0x81: {  	_ =	shalt  }
0x82: {  	_ =	shalt  }
0x83: {  	_ =	shalt  }
0x84: {  	_ =	shalt  }
0x85: {  	_ =	shalt  }
0x86: {  	_ =	shalt  }
0x87: {  	_ =	shalt  }
.Lfunc_end0:
.L_simem_size_0:
called_computation.2_lowered:
.L_overlay_start_0:
0x88: {  	s2 =	sld [smem:$0x3FD9]  }
0x89: {  	s3 =	sld [smem:$0x3FFE];
	_ =	sdelay $0x1  }
0x8a: {  	s1 =	srdreg.scid  }
0x8b: {  	s0 =	sand.u32 $0x1, s1  }
0x8c: {  	s16 =	sshll.u32 s0, $0xA;
	s2 =	sadd.s32 s3, s2  }
0x8d: {  	s2 =	sadd.s32 s2, s16  }
0x8e: {  	[smem:$0x3FC0] =	sst s2  }
0x8f: {  	_ = 	snop  }
0x90: {  	(tm) =	ssettm $0x1  }
0x91: {  	s17 =	sld [smem:$0x3FFB];
	_ =	sdelay $0x3  }
0x92: {  	_ =	strace s17  }
0x93: {  	s2 =	sld [smem:$0x3FFC];
	_ =	sdelay $0x3  }
0x94: {  	_ =	strace s2  }
0x95: {  	s2 =	sld [smem:$0x3FFD];
	_ =	sdelay $0x3  }
0x96: {  	_ =	strace s2  }
0x97: {  	_ =	strace $0x8FFFFFFF  }
0x98: {  	s18 =	sld [smem:$0x3FDB];
	_ =	sdelay $0x1  }
0x99: {  	s19 =	simm.s32 $_scs_section_size  }
0x9a: {  	s4 =	simm.s32 $_size__tile_overlayer_lowered;
	s5 =	simm.s32 $_tile_overlayer_lowered  }
0x9b: {  	s22 =	simm.s32 $0x1BFF;
	s21 =	sshll.u32 s5, $0x1;
	s2 =	sadd.s32 s19, s18  }
0x9c: {  	s6 =	simm.s32 $0x0;
	s20 =	sshll.u32 s4, $0x1;
	s4 =	sadd.s32 s21, s2  }
0x9d: {  	[timem:s6], [sflag:s22] =	dma.local [hbm:s4], s20  }
0x9e: {  	_ =	swait.ge [sflag:s22], s20  }
0x9f: {  	s3 =	ssub.s32 $0x0, s20;
	[sflag:s22] =	ssyncset.done $0x0  }
0xa0: {  	[sflag:s22] =	ssyncadd.s32 s3;
	_ =	sdelay $0x1  }
0xa1: {  	s23 =	simm.s32 $0x1B8B  }
0xa2: {  	_ =	swait.ge [sflag:s23], $0x1  }
0xa3: {  	[sflag:s23] =	ssyncset.done $0x0  }
0xa4: {  	s25 =	simm.s32 $0x1B8E;
	s24 =	sld [smem:$0x3FFE];
	[sflag:s23] =	ssyncadd.s32 $0xFFFFFFFF  }
0xa5: {  	s26 =	simm.s32 $execute0_lowered;
	[smem:$0x3FD2] =	sst s25  }
0xa6: {  	s4 =	sshll.u32 s26, $0x1;
	_ =	strace $0x8000004C;
	[dreg:$0x1] =	wrdreg $0xFFFFFFFF  }
0xa7: {  	s28 =	simm.s32 $_size_execute0_lowered;
	s2 =	sadd.s32 s2, s4;
	[dreg:$0x0] =	wrdreg $0x0  }
0xa8: {  	s4 =	sshll.u32 s28, $0x1;
	[dreg:$0x2] =	wrdreg s2  }
0xa9: {  	[dreg:$0x3] =	wrdreg s4  }
0xaa: {  	[dreg:$0x4] =	wrdreg $0xC0  }
0xab: {  	_ =	task [dreg:s6], $0x5FFFF  }
0xac: {  	[dreg:$0x1] =	wrdreg $0xFFFFFFFF  }
0xad: {  	[dreg:$0x0] =	wrdreg $0x60  }
0xae: {  	[dreg:$0x2] =	wrdreg s24  }
0xaf: {  	[dreg:$0x3] =	wrdreg $0x9  }
0xb0: {  	_ =	task.clear_ibuf [dreg:s6], $0x4FFFF;
	_ =	strace $0x9000004C  }
0xb1: {  	s29 =	simm.s32 $0x9;
	_ =	strace $0x8000004E  }
0xb2: {  	_ =	swait.ge [sflag:s29], $0x1  }
0xb3: {  	[sflag:s29] =	ssyncadd.s32 $0xFFFFFFFF  }
0xb4: {  	_ =	strace $0x9000004E  }
0xb5: {  	_ =	sfence  }
0xb6: {  	s30 =	sld [smem:$0x0];
	_ =	sdelay $0x2  }
0xb7: {  	s31 =	sshll.u32 s1, $0xD;
	s1 =	sshrl.u32 s1, $0x2  }
0xb8: {  	s3 =	sand.u32 $0x4000, s31;
	s1 =	sadd.s32 s1, s30  }
0xb9: {  	s0 =	sor.u32 s3, s0;
	s1 =	sshll.u32 s1, $0x11  }
0xba: {  	s0 =	sor.u32 s1, s0  }
0xbb: {  	s0 =	sadd.s32 $0x8F2B, s0  }
0xbc: {  	[sflag:s0] =	ssyncadd.remote.s32 $0x1  }
0xbd: {  	_ =	sfence.sel $0xFFFF  }
0xbe: {  	[dreg:$0x0] =	wrdreg $0xFFFFFFFF;
	(pc) =	sbr.abs _section_cstart, $3  }
0xbf: {  	[dreg:$0x1] =	wrdreg $0xFFFFFFFF  }
0xc0: {  	_ =	task.clear_ibuf [dreg:s6], $0x2FFFF;
	_ =	strace $0x9FFFFFFF  }
0xc1: {  	(tm) =	ssettm $0x7FFFFFFF  }
tec
execute0_lowered:
.L_overlay_start_1:
0x0: {  	(tag) =	ssettag $0x1  }
0x1: {  	s0 =	rddreg [dreg:$0x0];
	s1 =	srdreg.scid;
	s2 =	simm.s32 $0x0  }
0x2: {  	s6 =	stileid.u32;
	s8 =	simm.s32 $0x400;
	s20 =	simm.s32 $0x6400  }
0x3: {  	s21 =	simm.s32 $0x6C00;
	s22 =	simm.s32 $0x7400;
	s28 =	simm.s32 $0x9C00  }
0x4: {  	s29 =	simm.s32 $0xA400;
	s30 =	simm.s32 $0xAC00;
	s31 =	simm.s32 $0xB400  }
0x5: {  	s9 =	simm.s32 $0xDC00;
	s10 =	simm.s32 $0xE400;
	s11 =	simm.s32 $0xEC00  }
0x6: {  	s12 =	simm.s32 $0xF400;
	s13 =	simm.s32 $0xFC00;
	s14 =	simm.s32 $0x1  }
0x7: {  	s15 =	simm.s32 $0x2;
	s17 =	simm.s32 $0x0;
	s1 =	sand.u32 $0x1, s1  }
0x8: {  	[smem:$0x7FF] =	sst s2;
	s4 =	sshll.u32 s6, $0xB;
	s3 =	sadd.s32 $0x2200, s0  }
0x9: {  	s23 =	sshll.u32 s6, $0x10;
	s5 =	sshll.u32 s1, $0xA;
	_ =	strace $0x8000004D  }
0xa: {  	s24 =	ssub.s32 $0x2, s1;
	s1 =	sshll.u32 s1, $0xF;
	s4 =	sor.u32 s5, s4  }
0xb: {  	s5 =	sadd.s32 s23, s0;
	s7 =	sshrl.u32 s24, $0x1;
	s23 =	simm.s32 $0x7C00  }
0xc: {  	s4 =	sshrl.u32 s4, $0x3;
	s25 =	ssub.s32 s24, s7;
	s1 =	sadd.s32 s1, s5  }
.Ltmp0:
0xd: {  	s7 =	simm.s32 $0x3;
	s24 =	simm.s32 $0x8400;
	(pc) =	sbr.rel .LBB2_1-.Ltmp0, $4  }
0xe: {  	s5 =	simm.s32 $0xD400;
	s0 =	sadd.s32 s4, s0;
	s26 =	smax.u32 s25, $0x1  }
0xf: {  	v2 =	vlaneseq.u32;
	s6 =	sadd.s32 $0x188C00, s1;
	s25 =	simm.s32 $0x8C00;
	s1 =	simm.s32 $0xC400  }
0x10: {  	vm0 =	vmmov $0xffff;
	v1 =	vshrl.u32 v2, $0x3;
	s4 =	simm.s32 $0xCC00;
	s0 =	sadd.s32 $0x30FC00, s0;
	[dreg:$0x3] =	wrdreg s26  }
0x11: {  	v0 =	vand.u32 $0x7, v2;
	v2 =	vor.u32 $0x8, v2;
	v1 =	vmul.u32 $0x8, v1;
	s26 =	simm.s32 $0x9400;
	[dreg:$0x2] =	wrdreg s0;
	s0 =	simm.s32 $0xBC00  }
.LBB2_6:
0x12: {  	s17 =	rddreg [dreg:$0x4]  }
0x13: {  	s16 =	rddreg [dreg:$0x3];
	s17 =	sadd.s32 $0x1, s17  }
0x14: {  	p0 =	sne.s32 s17, s16  }
.Ltmp1:
0x15: {  	_ = 	snop;
	(pc) =	sbr.rel @!p0 .LBB2_7-.Ltmp1, $1  }
0x16: {  	_ =	sdelay $0x3  }
.LBB2_1:
0x17: {  	[dreg:$0x4] =	wrdreg s17  }
0x18: {  	s16 =	rddreg [dreg:$0x2]  }
0x19: {  	[tilespmem:s2], [sflag:$0x3] =	stream.linear.gather [hbm4b:s16+s2], $0x400, $0x38;
	[tilespmem:$0x10400] =	vst v63  }
0x1a: {  	_ =	swait.ge [sflag:s7], $0x400  }
0x1b: {  	[sflag:s7] =	ssyncset.done $0x0  }
0x1c: {  	[sflag:s7] =	ssyncadd.s32 $0xFFFFFC00  }
0x1d: {  	v3 =	vld [tilespmem:$0x0];
	_ =	sdelay $0x4  }
0x1e: {  	v4 =	vshll.u32 v3, $0x1  }
0x1f: {  	v3 =	vand.u32 $0x7, v3;
	v4 =	vand.u32 $0xFFFFFFF0, v4  }
0x20: {  	v3 =	vor.u32 v3, v4  }
0x21: {  	v4 =	vperm.xlane v3, v0;
	_ =	sdelay $0x1  }
0x22: {  	v3 =	vperm.xlane v3, v2;
	v4 =	vadd.s32 v1, v4;
	_ =	sdelay $0x1  }
0x23: {  	v3 =	vadd.s32 v1, v3;
	_ =	sdelay $0x2  }
0x24: {  	[tilespmem:s8], [sflag:$0x1] =	stream.indirect_vreg.gather [hbm4b:s3+s2], $0x80, v4, vm0, $0xb8;
	[tilespmem:$0x10400] =	vst v63  }
0x25: {  	s18 =	simm.s32 $0xC00  }
0x26: {  	[tilespmem:s18], [sflag:$0x1] =	stream.indirect_vreg.gather [hbm4b:s3+s2], $0x80, v3, vm0, $0xb8;
	[tilespmem:$0x10400] =	vst v63  }
0x27: {  	v3 =	vld [tilespmem:$0x10];
	_ =	sdelay $0x4  }
0x28: {  	v49 =	vshll.u32 v3, $0x1  }
0x29: {  	v3 =	vand.u32 $0x7, v3;
	v4 =	vand.u32 $0xFFFFFFF0, v49  }
0x2a: {  	v3 =	vor.u32 v3, v4  }
0x2b: {  	v4 =	vperm.xlane v3, v0;
	_ =	sdelay $0x1  }
0x2c: {  	v3 =	vperm.xlane v3, v2;
	v4 =	vadd.s32 v1, v4;
	_ =	sdelay $0x1  }
0x2d: {  	v3 =	vadd.s32 v1, v3;
	_ =	sdelay $0x1  }
0x2e: {  	s19 =	simm.s32 $0x1400  }
0x2f: {  	[tilespmem:s19], [sflag:$0x1] =	stream.indirect_vreg.gather [hbm4b:s3+s2], $0x80, v4, vm0, $0xb8;
	[tilespmem:$0x10400] =	vst v63  }
0x30: {  	s17 =	simm.s32 $0x1C00  }
0x31: {  	[tilespmem:s17], [sflag:$0x1] =	stream.indirect_vreg.gather [hbm4b:s3+s2], $0x80, v3, vm0, $0xb8;
	[tilespmem:$0x10400] =	vst v63  }
0x32: {  	v3 =	vld [tilespmem:$0x20];
	_ =	sdelay $0x4  }
0x33: {  	v50 =	vshll.u32 v3, $0x1  }
0x34: {  	v3 =	vand.u32 $0x7, v3;
	v4 =	vand.u32 $0xFFFFFFF0, v50  }
0x35: {  	v3 =	vor.u32 v3, v4  }
0x36: {  	v4 =	vperm.xlane v3, v0;
	_ =	sdelay $0x1  }
0x37: {  	v3 =	vperm.xlane v3, v2;
	v4 =	vadd.s32 v1, v4;
	_ =	sdelay $0x1  }
0x38: {  	v3 =	vadd.s32 v1, v3;
	_ =	sdelay $0x1  }
0x39: {  	s18 =	simm.s32 $0x2400  }
0x3a: {  	[tilespmem:s18], [sflag:$0x1] =	stream.indirect_vreg.gather [hbm4b:s3+s2], $0x80, v4, vm0, $0xb8;
	[tilespmem:$0x10400] =	vst v63  }
0x3b: {  	s19 =	simm.s32 $0x2C00  }
0x3c: {  	[tilespmem:s19], [sflag:$0x1] =	stream.indirect_vreg.gather [hbm4b:s3+s2], $0x80, v3, vm0, $0xb8;
	[tilespmem:$0x10400] =	vst v63  }
0x3d: {  	v3 =	vld [tilespmem:$0x30];
	_ =	sdelay $0x4  }
0x3e: {  	v51 =	vshll.u32 v3, $0x1  }
0x3f: {  	v3 =	vand.u32 $0x7, v3;
	v4 =	vand.u32 $0xFFFFFFF0, v51  }
0x40: {  	v3 =	vor.u32 v3, v4  }
0x41: {  	v4 =	vperm.xlane v3, v0;
	_ =	sdelay $0x1  }
0x42: {  	v3 =	vperm.xlane v3, v2;
	v4 =	vadd.s32 v1, v4;
	_ =	sdelay $0x1  }
0x43: {  	v3 =	vadd.s32 v1, v3;
	_ =	sdelay $0x1  }
0x44: {  	s17 =	simm.s32 $0x3400  }
0x45: {  	[tilespmem:s17], [sflag:$0x1] =	stream.indirect_vreg.gather [hbm4b:s3+s2], $0x80, v4, vm0, $0xb8;
	[tilespmem:$0x10400] =	vst v63  }
0x46: {  	s18 =	simm.s32 $0x3C00  }
0x47: {  	[tilespmem:s18], [sflag:$0x1] =	stream.indirect_vreg.gather [hbm4b:s3+s2], $0x80, v3, vm0, $0xb8;
	[tilespmem:$0x10400] =	vst v63  }
0x48: {  	v3 =	vld [tilespmem:$0x40];
	_ =	sdelay $0x4  }
0x49: {  	v52 =	vshll.u32 v3, $0x1  }
0x4a: {  	v3 =	vand.u32 $0x7, v3;
	v4 =	vand.u32 $0xFFFFFFF0, v52  }
0x4b: {  	v3 =	vor.u32 v3, v4  }
0x4c: {  	v4 =	vperm.xlane v3, v0;
	_ =	sdelay $0x1  }
0x4d: {  	v3 =	vperm.xlane v3, v2;
	v4 =	vadd.s32 v1, v4;
	_ =	sdelay $0x1  }
0x4e: {  	v3 =	vadd.s32 v1, v3;
	_ =	sdelay $0x1  }
0x4f: {  	s19 =	simm.s32 $0x4400  }
0x50: {  	[tilespmem:s19], [sflag:$0x1] =	stream.indirect_vreg.gather [hbm4b:s3+s2], $0x80, v4, vm0, $0xb8;
	[tilespmem:$0x10400] =	vst v63  }
0x51: {  	s17 =	simm.s32 $0x4C00  }
0x52: {  	[tilespmem:s17], [sflag:$0x1] =	stream.indirect_vreg.gather [hbm4b:s3+s2], $0x80, v3, vm0, $0xb8;
	[tilespmem:$0x10400] =	vst v63  }
0x53: {  	v3 =	vld [tilespmem:$0x50];
	_ =	sdelay $0x4  }
0x54: {  	v53 =	vshll.u32 v3, $0x1  }
0x55: {  	v3 =	vand.u32 $0x7, v3;
	v4 =	vand.u32 $0xFFFFFFF0, v53  }
0x56: {  	v3 =	vor.u32 v3, v4  }
0x57: {  	v4 =	vperm.xlane v3, v0;
	_ =	sdelay $0x1  }
0x58: {  	v3 =	vperm.xlane v3, v2;
	v4 =	vadd.s32 v1, v4;
	_ =	sdelay $0x1  }
0x59: {  	v3 =	vadd.s32 v1, v3;
	_ =	sdelay $0x1  }
0x5a: {  	s18 =	simm.s32 $0x5400  }
0x5b: {  	[tilespmem:s18], [sflag:$0x1] =	stream.indirect_vreg.gather [hbm4b:s3+s2], $0x80, v4, vm0, $0xb8;
	[tilespmem:$0x10400] =	vst v63  }
0x5c: {  	s19 =	simm.s32 $0x5C00  }
0x5d: {  	[tilespmem:s19], [sflag:$0x1] =	stream.indirect_vreg.gather [hbm4b:s3+s2], $0x80, v3, vm0, $0xb8;
	[tilespmem:$0x10400] =	vst v63  }
0x5e: {  	v3 =	vld [tilespmem:$0x60];
	_ =	sdelay $0x4  }
0x5f: {  	v54 =	vshll.u32 v3, $0x1  }
0x60: {  	v3 =	vand.u32 $0x7, v3;
	v4 =	vand.u32 $0xFFFFFFF0, v54  }
0x61: {  	v3 =	vor.u32 v3, v4  }
0x62: {  	v4 =	vperm.xlane v3, v0;
	_ =	sdelay $0x1  }
0x63: {  	v3 =	vperm.xlane v3, v2;
	v4 =	vadd.s32 v1, v4;
	_ =	sdelay $0x1  }
0x64: {  	v3 =	vadd.s32 v1, v3;
	_ =	sdelay $0x2  }
0x65: {  	[tilespmem:s20], [sflag:$0x1] =	stream.indirect_vreg.gather [hbm4b:s3+s2], $0x80, v4, vm0, $0xb8;
	[tilespmem:$0x10400] =	vst v63  }
0x66: {  	_ = 	snop  }
0x67: {  	[tilespmem:s21], [sflag:$0x1] =	stream.indirect_vreg.gather [hbm4b:s3+s2], $0x80, v3, vm0, $0xb8;
	[tilespmem:$0x10400] =	vst v63  }
0x68: {  	v3 =	vld [tilespmem:$0x70];
	_ =	sdelay $0x4  }
0x69: {  	v55 =	vshll.u32 v3, $0x1  }
0x6a: {  	v3 =	vand.u32 $0x7, v3;
	v4 =	vand.u32 $0xFFFFFFF0, v55  }
0x6b: {  	v3 =	vor.u32 v3, v4  }
0x6c: {  	v4 =	vperm.xlane v3, v0;
	_ =	sdelay $0x1  }
0x6d: {  	v3 =	vperm.xlane v3, v2;
	v4 =	vadd.s32 v1, v4;
	_ =	sdelay $0x1  }
0x6e: {  	v3 =	vadd.s32 v1, v3;
	_ =	sdelay $0x2  }
0x6f: {  	[tilespmem:s22], [sflag:$0x1] =	stream.indirect_vreg.gather [hbm4b:s3+s2], $0x80, v4, vm0, $0xb8;
	[tilespmem:$0x10400] =	vst v63  }
0x70: {  	_ = 	snop  }
0x71: {  	[tilespmem:s23], [sflag:$0x1] =	stream.indirect_vreg.gather [hbm4b:s3+s2], $0x80, v3, vm0, $0xb8;
	[tilespmem:$0x10400] =	vst v63  }
0x72: {  	v3 =	vld [tilespmem:$0x80];
	_ =	sdelay $0x4  }
0x73: {  	v56 =	vshll.u32 v3, $0x1  }
0x74: {  	v3 =	vand.u32 $0x7, v3;
	v4 =	vand.u32 $0xFFFFFFF0, v56  }
0x75: {  	v3 =	vor.u32 v3, v4  }
0x76: {  	v4 =	vperm.xlane v3, v0;
	_ =	sdelay $0x1  }
0x77: {  	v3 =	vperm.xlane v3, v2;
	v4 =	vadd.s32 v1, v4;
	_ =	sdelay $0x1  }
0x78: {  	v3 =	vadd.s32 v1, v3;
	_ =	sdelay $0x2  }
0x79: {  	[tilespmem:s24], [sflag:$0x2] =	stream.indirect_vreg.gather [hbm4b:s3+s2], $0x80, v4, vm0, $0xb8;
	[tilespmem:$0x10400] =	vst v63  }
0x7a: {  	_ = 	snop  }
0x7b: {  	[tilespmem:s25], [sflag:$0x2] =	stream.indirect_vreg.gather [hbm4b:s3+s2], $0x80, v3, vm0, $0xb8;
	[tilespmem:$0x10400] =	vst v63  }
0x7c: {  	v3 =	vld [tilespmem:$0x90];
	_ =	sdelay $0x4  }
0x7d: {  	v57 =	vshll.u32 v3, $0x1  }
0x7e: {  	v3 =	vand.u32 $0x7, v3;
	v4 =	vand.u32 $0xFFFFFFF0, v57  }
0x7f: {  	v3 =	vor.u32 v3, v4  }
0x80: {  	v4 =	vperm.xlane v3, v0;
	_ =	sdelay $0x1  }
0x81: {  	v3 =	vperm.xlane v3, v2;
	v4 =	vadd.s32 v1, v4;
	_ =	sdelay $0x1  }
0x82: {  	v3 =	vadd.s32 v1, v3;
	_ =	sdelay $0x2  }
0x83: {  	[tilespmem:s26], [sflag:$0x2] =	stream.indirect_vreg.gather [hbm4b:s3+s2], $0x80, v4, vm0, $0xb8;
	[tilespmem:$0x10400] =	vst v63  }
0x84: {  	_ = 	snop  }
0x85: {  	[tilespmem:s28], [sflag:$0x2] =	stream.indirect_vreg.gather [hbm4b:s3+s2], $0x80, v3, vm0, $0xb8;
	[tilespmem:$0x10400] =	vst v63  }
0x86: {  	v3 =	vld [tilespmem:$0xA0];
	_ =	sdelay $0x4  }
0x87: {  	v58 =	vshll.u32 v3, $0x1  }
0x88: {  	v3 =	vand.u32 $0x7, v3;
	v4 =	vand.u32 $0xFFFFFFF0, v58  }
0x89: {  	v3 =	vor.u32 v3, v4  }
0x8a: {  	v4 =	vperm.xlane v3, v0;
	_ =	sdelay $0x1  }
0x8b: {  	v3 =	vperm.xlane v3, v2;
	v4 =	vadd.s32 v1, v4;
	_ =	sdelay $0x1  }
0x8c: {  	v3 =	vadd.s32 v1, v3;
	_ =	sdelay $0x2  }
0x8d: {  	[tilespmem:s29], [sflag:$0x2] =	stream.indirect_vreg.gather [hbm4b:s3+s2], $0x80, v4, vm0, $0xb8;
	[tilespmem:$0x10400] =	vst v63  }
0x8e: {  	_ = 	snop  }
0x8f: {  	[tilespmem:s30], [sflag:$0x2] =	stream.indirect_vreg.gather [hbm4b:s3+s2], $0x80, v3, vm0, $0xb8;
	[tilespmem:$0x10400] =	vst v63  }
0x90: {  	v3 =	vld [tilespmem:$0xB0];
	_ =	sdelay $0x4  }
0x91: {  	v59 =	vshll.u32 v3, $0x1  }
0x92: {  	v3 =	vand.u32 $0x7, v3;
	v4 =	vand.u32 $0xFFFFFFF0, v59  }
0x93: {  	v3 =	vor.u32 v3, v4  }
0x94: {  	v4 =	vperm.xlane v3, v0;
	_ =	sdelay $0x1  }
0x95: {  	v3 =	vperm.xlane v3, v2;
	v4 =	vadd.s32 v1, v4;
	_ =	sdelay $0x1  }
0x96: {  	v3 =	vadd.s32 v1, v3;
	_ =	sdelay $0x2  }
0x97: {  	[tilespmem:s31], [sflag:$0x2] =	stream.indirect_vreg.gather [hbm4b:s3+s2], $0x80, v4, vm0, $0xb8;
	[tilespmem:$0x10400] =	vst v63  }
0x98: {  	_ = 	snop  }
0x99: {  	[tilespmem:s0], [sflag:$0x2] =	stream.indirect_vreg.gather [hbm4b:s3+s2], $0x80, v3, vm0, $0xb8;
	[tilespmem:$0x10400] =	vst v63  }
0x9a: {  	v3 =	vld [tilespmem:$0xC0];
	_ =	sdelay $0x4  }
0x9b: {  	v60 =	vshll.u32 v3, $0x1  }
0x9c: {  	v3 =	vand.u32 $0x7, v3;
	v4 =	vand.u32 $0xFFFFFFF0, v60  }
0x9d: {  	v3 =	vor.u32 v3, v4  }
0x9e: {  	v4 =	vperm.xlane v3, v0;
	_ =	sdelay $0x1  }
0x9f: {  	v3 =	vperm.xlane v3, v2;
	v4 =	vadd.s32 v1, v4;
	_ =	sdelay $0x1  }
0xa0: {  	v3 =	vadd.s32 v1, v3;
	_ =	sdelay $0x2  }
0xa1: {  	[tilespmem:s1], [sflag:$0x2] =	stream.indirect_vreg.gather [hbm4b:s3+s2], $0x80, v4, vm0, $0xb8;
	[tilespmem:$0x10400] =	vst v63  }
0xa2: {  	_ = 	snop  }
0xa3: {  	[tilespmem:s4], [sflag:$0x2] =	stream.indirect_vreg.gather [hbm4b:s3+s2], $0x80, v3, vm0, $0xb8;
	[tilespmem:$0x10400] =	vst v63  }
0xa4: {  	v3 =	vld [tilespmem:$0xD0];
	_ =	sdelay $0x4  }
0xa5: {  	v61 =	vshll.u32 v3, $0x1  }
0xa6: {  	v3 =	vand.u32 $0x7, v3;
	v4 =	vand.u32 $0xFFFFFFF0, v61  }
0xa7: {  	v3 =	vor.u32 v3, v4  }
0xa8: {  	v4 =	vperm.xlane v3, v0;
	_ =	sdelay $0x1  }
0xa9: {  	v3 =	vperm.xlane v3, v2;
	v4 =	vadd.s32 v1, v4;
	_ =	sdelay $0x1  }
0xaa: {  	v3 =	vadd.s32 v1, v3;
	_ =	sdelay $0x2  }
0xab: {  	[tilespmem:s5], [sflag:$0x2] =	stream.indirect_vreg.gather [hbm4b:s3+s2], $0x80, v4, vm0, $0xb8;
	[tilespmem:$0x10400] =	vst v63  }
0xac: {  	_ = 	snop  }
0xad: {  	[tilespmem:s9], [sflag:$0x2] =	stream.indirect_vreg.gather [hbm4b:s3+s2], $0x80, v3, vm0, $0xb8;
	[tilespmem:$0x10400] =	vst v63  }
0xae: {  	v3 =	vld [tilespmem:$0xE0];
	_ =	sdelay $0x4  }
0xaf: {  	v62 =	vshll.u32 v3, $0x1  }
0xb0: {  	v3 =	vand.u32 $0x7, v3;
	v4 =	vand.u32 $0xFFFFFFF0, v62  }
0xb1: {  	v3 =	vor.u32 v3, v4  }
0xb2: {  	v4 =	vperm.xlane v3, v0;
	_ =	sdelay $0x1  }
0xb3: {  	v3 =	vperm.xlane v3, v2;
	v4 =	vadd.s32 v1, v4;
	_ =	sdelay $0x1  }
0xb4: {  	v3 =	vadd.s32 v1, v3;
	_ =	sdelay $0x2  }
0xb5: {  	[tilespmem:s10], [sflag:$0x2] =	stream.indirect_vreg.gather [hbm4b:s3+s2], $0x80, v4, vm0, $0xb8;
	[tilespmem:$0x10400] =	vst v63  }
0xb6: {  	_ = 	snop  }
0xb7: {  	[tilespmem:s11], [sflag:$0x2] =	stream.indirect_vreg.gather [hbm4b:s3+s2], $0x80, v3, vm0, $0xb8;
	[tilespmem:$0x10400] =	vst v63  }
0xb8: {  	v3 =	vld [tilespmem:$0xF0];
	_ =	sdelay $0x4  }
0xb9: {  	v63 =	vshll.u32 v3, $0x1  }
0xba: {  	v3 =	vand.u32 $0x7, v3;
	v4 =	vand.u32 $0xFFFFFFF0, v63  }
0xbb: {  	v3 =	vor.u32 v3, v4  }
0xbc: {  	v4 =	vperm.xlane v3, v0;
	_ =	sdelay $0x1  }
0xbd: {  	v3 =	vperm.xlane v3, v2;
	v4 =	vadd.s32 v1, v4;
	_ =	sdelay $0x1  }
0xbe: {  	v3 =	vadd.s32 v1, v3;
	_ =	sdelay $0x2  }
0xbf: {  	[tilespmem:s12], [sflag:$0x2] =	stream.indirect_vreg.gather [hbm4b:s3+s2], $0x80, v4, vm0, $0xb8;
	[tilespmem:$0x10400] =	vst v63  }
0xc0: {  	s16 =	simm.s32 $0x1F0;
	s17 =	simm.s32 $0x0  }
0xc1: {  	[tilespmem:s13], [sflag:$0x2] =	stream.indirect_vreg.gather [hbm4b:s3+s2], $0x80, v3, vm0, $0xb8;
	[tilespmem:$0x10400] =	vst v63  }
.LBB2_2:
0xc2: {  	_ =	swait.ge [sflag:s14], $0x8000  }
0xc3: {  	p0 =	seq.s32 s17, $0x6000;
	[sflag:s14] =	ssyncset.done $0x0  }
.Ltmp2:
0xc4: {  	s18 =	sadd.s32 s17, s6;
	[sflag:s14] =	ssyncadd.s32 $0xFFFF8000;
	(pc) =	sbr.rel @p0 .LBB2_4-.Ltmp2, $4  }
0xc5: {  	[hbm4b:s18+s2] =	stream.linear.scatter [tilespmem:s8], [sflag:$0x3], $0x8000, $0x38;
	[tilespmem:$0x10400] =	vst v63  }
0xc6: {  	_ =	swait.ge [sflag:s7], $0x8000  }
0xc7: {  	[sflag:s7] =	ssyncset.done $0x0  }
0xc8: {  	[sflag:s7] =	ssyncadd.s32 $0xFFFF8000  }
0xc9: {  	v3 =	vld [tilespmem:s16+$0xFFFFFF10];
	_ =	sdelay $0x4  }
0xca: {  	v4 =	vshll.u32 v3, $0x1  }
0xcb: {  	v3 =	vand.u32 $0x7, v3;
	v4 =	vand.u32 $0xFFFFFFF0, v4  }
0xcc: {  	v3 =	vor.u32 v3, v4  }
0xcd: {  	v4 =	vperm.xlane v3, v0;
	_ =	sdelay $0x1  }
0xce: {  	v3 =	vperm.xlane v3, v2;
	v4 =	vadd.s32 v1, v4;
	_ =	sdelay $0x1  }
0xcf: {  	v3 =	vadd.s32 v1, v3;
	_ =	sdelay $0x2  }
0xd0: {  	[tilespmem:s8], [sflag:$0x1] =	stream.indirect_vreg.gather [hbm4b:s3+s2], $0x80, v4, vm0, $0xb8;
	[tilespmem:$0x10400] =	vst v63  }
0xd1: {  	s19 =	simm.s32 $0xC00  }
0xd2: {  	[tilespmem:s19], [sflag:$0x1] =	stream.indirect_vreg.gather [hbm4b:s3+s2], $0x80, v3, vm0, $0xb8;
	[tilespmem:$0x10400] =	vst v63  }
0xd3: {  	v3 =	vld [tilespmem:s16+$0xFFFFFF20];
	_ =	sdelay $0x4  }
0xd4: {  	v57 =	vshll.u32 v3, $0x1  }
0xd5: {  	v3 =	vand.u32 $0x7, v3;
	v4 =	vand.u32 $0xFFFFFFF0, v57  }
0xd6: {  	v3 =	vor.u32 v3, v4  }
0xd7: {  	v4 =	vperm.xlane v3, v0;
	_ =	sdelay $0x1  }
0xd8: {  	v3 =	vperm.xlane v3, v2;
	v4 =	vadd.s32 v1, v4;
	_ =	sdelay $0x1  }
0xd9: {  	v3 =	vadd.s32 v1, v3;
	_ =	sdelay $0x1  }
0xda: {  	s19 =	simm.s32 $0x1400  }
0xdb: {  	[tilespmem:s19], [sflag:$0x1] =	stream.indirect_vreg.gather [hbm4b:s3+s2], $0x80, v4, vm0, $0xb8;
	[tilespmem:$0x10400] =	vst v63  }
0xdc: {  	s19 =	simm.s32 $0x1C00  }
0xdd: {  	[tilespmem:s19], [sflag:$0x1] =	stream.indirect_vreg.gather [hbm4b:s3+s2], $0x80, v3, vm0, $0xb8;
	[tilespmem:$0x10400] =	vst v63  }
0xde: {  	v3 =	vld [tilespmem:s16+$0xFFFFFF30];
	_ =	sdelay $0x4  }
0xdf: {  	v58 =	vshll.u32 v3, $0x1  }
0xe0: {  	v3 =	vand.u32 $0x7, v3;
	v4 =	vand.u32 $0xFFFFFFF0, v58  }
0xe1: {  	v3 =	vor.u32 v3, v4  }
0xe2: {  	v4 =	vperm.xlane v3, v0;
	_ =	sdelay $0x1  }
0xe3: {  	v3 =	vperm.xlane v3, v2;
	v4 =	vadd.s32 v1, v4;
	_ =	sdelay $0x1  }
0xe4: {  	v3 =	vadd.s32 v1, v3;
	_ =	sdelay $0x1  }
0xe5: {  	s19 =	simm.s32 $0x2400  }
0xe6: {  	[tilespmem:s19], [sflag:$0x1] =	stream.indirect_vreg.gather [hbm4b:s3+s2], $0x80, v4, vm0, $0xb8;
	[tilespmem:$0x10400] =	vst v63  }
0xe7: {  	s19 =	simm.s32 $0x2C00  }
0xe8: {  	[tilespmem:s19], [sflag:$0x1] =	stream.indirect_vreg.gather [hbm4b:s3+s2], $0x80, v3, vm0, $0xb8;
	[tilespmem:$0x10400] =	vst v63  }
0xe9: {  	v3 =	vld [tilespmem:s16+$0xFFFFFF40];
	_ =	sdelay $0x4  }
0xea: {  	v59 =	vshll.u32 v3, $0x1  }
0xeb: {  	v3 =	vand.u32 $0x7, v3;
	v4 =	vand.u32 $0xFFFFFFF0, v59  }
0xec: {  	v3 =	vor.u32 v3, v4  }
0xed: {  	v4 =	vperm.xlane v3, v0;
	_ =	sdelay $0x1  }
0xee: {  	v3 =	vperm.xlane v3, v2;
	v4 =	vadd.s32 v1, v4;
	_ =	sdelay $0x1  }
0xef: {  	v3 =	vadd.s32 v1, v3;
	_ =	sdelay $0x1  }
0xf0: {  	s19 =	simm.s32 $0x3400  }
0xf1: {  	[tilespmem:s19], [sflag:$0x1] =	stream.indirect_vreg.gather [hbm4b:s3+s2], $0x80, v4, vm0, $0xb8;
	[tilespmem:$0x10400] =	vst v63  }
0xf2: {  	s19 =	simm.s32 $0x3C00  }
0xf3: {  	[tilespmem:s19], [sflag:$0x1] =	stream.indirect_vreg.gather [hbm4b:s3+s2], $0x80, v3, vm0, $0xb8;
	[tilespmem:$0x10400] =	vst v63  }
0xf4: {  	v3 =	vld [tilespmem:s16+$0xFFFFFF50];
	_ =	sdelay $0x4  }
0xf5: {  	v60 =	vshll.u32 v3, $0x1  }
0xf6: {  	v3 =	vand.u32 $0x7, v3;
	v4 =	vand.u32 $0xFFFFFFF0, v60  }
0xf7: {  	v3 =	vor.u32 v3, v4  }
0xf8: {  	v4 =	vperm.xlane v3, v0;
	_ =	sdelay $0x1  }
0xf9: {  	v3 =	vperm.xlane v3, v2;
	v4 =	vadd.s32 v1, v4;
	_ =	sdelay $0x1  }
0xfa: {  	v3 =	vadd.s32 v1, v3;
	_ =	sdelay $0x1  }
0xfb: {  	s19 =	simm.s32 $0x4400  }
0xfc: {  	[tilespmem:s19], [sflag:$0x1] =	stream.indirect_vreg.gather [hbm4b:s3+s2], $0x80, v4, vm0, $0xb8;
	[tilespmem:$0x10400] =	vst v63  }
0xfd: {  	s19 =	simm.s32 $0x4C00  }
0xfe: {  	[tilespmem:s19], [sflag:$0x1] =	stream.indirect_vreg.gather [hbm4b:s3+s2], $0x80, v3, vm0, $0xb8;
	[tilespmem:$0x10400] =	vst v63  }
0xff: {  	v3 =	vld [tilespmem:s16+$0xFFFFFF60];
	_ =	sdelay $0x4  }
0x100: {  	v61 =	vshll.u32 v3, $0x1  }
0x101: {  	v3 =	vand.u32 $0x7, v3;
	v4 =	vand.u32 $0xFFFFFFF0, v61  }
0x102: {  	v3 =	vor.u32 v3, v4  }
0x103: {  	v4 =	vperm.xlane v3, v0;
	_ =	sdelay $0x1  }
0x104: {  	v3 =	vperm.xlane v3, v2;
	v4 =	vadd.s32 v1, v4;
	_ =	sdelay $0x1  }
0x105: {  	v3 =	vadd.s32 v1, v3;
	_ =	sdelay $0x1  }
0x106: {  	s19 =	simm.s32 $0x5400  }
0x107: {  	[tilespmem:s19], [sflag:$0x1] =	stream.indirect_vreg.gather [hbm4b:s3+s2], $0x80, v4, vm0, $0xb8;
	[tilespmem:$0x10400] =	vst v63  }
0x108: {  	s19 =	simm.s32 $0x5C00  }
0x109: {  	[tilespmem:s19], [sflag:$0x1] =	stream.indirect_vreg.gather [hbm4b:s3+s2], $0x80, v3, vm0, $0xb8;
	[tilespmem:$0x10400] =	vst v63  }
0x10a: {  	v3 =	vld [tilespmem:s16+$0xFFFFFF70];
	_ =	sdelay $0x4  }
0x10b: {  	v62 =	vshll.u32 v3, $0x1  }
0x10c: {  	v3 =	vand.u32 $0x7, v3;
	v4 =	vand.u32 $0xFFFFFFF0, v62  }
0x10d: {  	v3 =	vor.u32 v3, v4  }
0x10e: {  	v4 =	vperm.xlane v3, v0;
	_ =	sdelay $0x1  }
0x10f: {  	v3 =	vperm.xlane v3, v2;
	v4 =	vadd.s32 v1, v4;
	_ =	sdelay $0x1  }
0x110: {  	v3 =	vadd.s32 v1, v3;
	_ =	sdelay $0x2  }
0x111: {  	[tilespmem:s20], [sflag:$0x1] =	stream.indirect_vreg.gather [hbm4b:s3+s2], $0x80, v4, vm0, $0xb8;
	[tilespmem:$0x10400] =	vst v63  }
0x112: {  	_ = 	snop  }
0x113: {  	[tilespmem:s21], [sflag:$0x1] =	stream.indirect_vreg.gather [hbm4b:s3+s2], $0x80, v3, vm0, $0xb8;
	[tilespmem:$0x10400] =	vst v63  }
0x114: {  	v3 =	vld [tilespmem:s16+$0xFFFFFF80];
	_ =	sdelay $0x4  }
0x115: {  	v63 =	vshll.u32 v3, $0x1  }
0x116: {  	v3 =	vand.u32 $0x7, v3;
	v4 =	vand.u32 $0xFFFFFFF0, v63  }
0x117: {  	v3 =	vor.u32 v3, v4  }
0x118: {  	v4 =	vperm.xlane v3, v0;
	_ =	sdelay $0x1  }
0x119: {  	v3 =	vperm.xlane v3, v2;
	v4 =	vadd.s32 v1, v4;
	_ =	sdelay $0x1  }
0x11a: {  	v3 =	vadd.s32 v1, v3;
	_ =	sdelay $0x2  }
0x11b: {  	[tilespmem:s22], [sflag:$0x1] =	stream.indirect_vreg.gather [hbm4b:s3+s2], $0x80, v4, vm0, $0xb8;
	[tilespmem:$0x10400] =	vst v63  }
0x11c: {  	_ = 	snop  }
0x11d: {  	[tilespmem:s23], [sflag:$0x1] =	stream.indirect_vreg.gather [hbm4b:s3+s2], $0x80, v3, vm0, $0xb8;
	[tilespmem:$0x10400] =	vst v63  }
.LBB2_4:
0x11e: {  	_ =	swait.ge [sflag:s15], $0x8000  }
0x11f: {  	[sflag:s15] =	ssyncset.done $0x0  }
.Ltmp3:
0x120: {  	s18 =	sadd.s32 $0x1000, s18;
	[sflag:s15] =	ssyncadd.s32 $0xFFFF8000;
	(pc) =	sbr.rel @p0 .LBB2_6-.Ltmp3, $4  }
0x121: {  	[hbm4b:s18+s2] =	stream.linear.scatter [tilespmem:s24], [sflag:$0x3], $0x8000, $0x38;
	[tilespmem:$0x10400] =	vst v63  }
0x122: {  	_ =	swait.ge [sflag:s7], $0x8000  }
0x123: {  	[sflag:s7] =	ssyncset.done $0x0  }
0x124: {  	[sflag:s7] =	ssyncadd.s32 $0xFFFF8000  }
0x125: {  	v3 =	vld [tilespmem:s16+$0xFFFFFF90];
	_ =	sdelay $0x4  }
0x126: {  	v4 =	vshll.u32 v3, $0x1  }
0x127: {  	v3 =	vand.u32 $0x7, v3;
	v4 =	vand.u32 $0xFFFFFFF0, v4  }
0x128: {  	v3 =	vor.u32 v3, v4  }
0x129: {  	v4 =	vperm.xlane v3, v0;
	_ =	sdelay $0x1  }
0x12a: {  	v3 =	vperm.xlane v3, v2;
	v4 =	vadd.s32 v1, v4;
	_ =	sdelay $0x1  }
0x12b: {  	v3 =	vadd.s32 v1, v3;
	_ =	sdelay $0x2  }
0x12c: {  	[tilespmem:s24], [sflag:$0x2] =	stream.indirect_vreg.gather [hbm4b:s3+s2], $0x80, v4, vm0, $0xb8;
	[tilespmem:$0x10400] =	vst v63  }
0x12d: {  	_ = 	snop  }
0x12e: {  	[tilespmem:s25], [sflag:$0x2] =	stream.indirect_vreg.gather [hbm4b:s3+s2], $0x80, v3, vm0, $0xb8;
	[tilespmem:$0x10400] =	vst v63  }
0x12f: {  	v3 =	vld [tilespmem:s16+$0xFFFFFFA0];
	_ =	sdelay $0x4  }
0x130: {  	v57 =	vshll.u32 v3, $0x1  }
0x131: {  	v3 =	vand.u32 $0x7, v3;
	v4 =	vand.u32 $0xFFFFFFF0, v57  }
0x132: {  	v3 =	vor.u32 v3, v4  }
0x133: {  	v4 =	vperm.xlane v3, v0;
	_ =	sdelay $0x1  }
0x134: {  	v3 =	vperm.xlane v3, v2;
	v4 =	vadd.s32 v1, v4;
	_ =	sdelay $0x1  }
0x135: {  	v3 =	vadd.s32 v1, v3;
	_ =	sdelay $0x2  }
0x136: {  	[tilespmem:s26], [sflag:$0x2] =	stream.indirect_vreg.gather [hbm4b:s3+s2], $0x80, v4, vm0, $0xb8;
	[tilespmem:$0x10400] =	vst v63  }
0x137: {  	_ = 	snop  }
0x138: {  	[tilespmem:s28], [sflag:$0x2] =	stream.indirect_vreg.gather [hbm4b:s3+s2], $0x80, v3, vm0, $0xb8;
	[tilespmem:$0x10400] =	vst v63  }
0x139: {  	v3 =	vld [tilespmem:s16+$0xFFFFFFB0];
	_ =	sdelay $0x4  }
0x13a: {  	v58 =	vshll.u32 v3, $0x1  }
0x13b: {  	v3 =	vand.u32 $0x7, v3;
	v4 =	vand.u32 $0xFFFFFFF0, v58  }
0x13c: {  	v3 =	vor.u32 v3, v4  }
0x13d: {  	v4 =	vperm.xlane v3, v0;
	_ =	sdelay $0x1  }
0x13e: {  	v3 =	vperm.xlane v3, v2;
	v4 =	vadd.s32 v1, v4;
	_ =	sdelay $0x1  }
0x13f: {  	v3 =	vadd.s32 v1, v3;
	_ =	sdelay $0x2  }
0x140: {  	[tilespmem:s29], [sflag:$0x2] =	stream.indirect_vreg.gather [hbm4b:s3+s2], $0x80, v4, vm0, $0xb8;
	[tilespmem:$0x10400] =	vst v63  }
0x141: {  	_ = 	snop  }
0x142: {  	[tilespmem:s30], [sflag:$0x2] =	stream.indirect_vreg.gather [hbm4b:s3+s2], $0x80, v3, vm0, $0xb8;
	[tilespmem:$0x10400] =	vst v63  }
0x143: {  	v3 =	vld [tilespmem:s16+$0xFFFFFFC0];
	_ =	sdelay $0x4  }
0x144: {  	v59 =	vshll.u32 v3, $0x1  }
0x145: {  	v3 =	vand.u32 $0x7, v3;
	v4 =	vand.u32 $0xFFFFFFF0, v59  }
0x146: {  	v3 =	vor.u32 v3, v4  }
0x147: {  	v4 =	vperm.xlane v3, v0;
	_ =	sdelay $0x1  }
0x148: {  	v3 =	vperm.xlane v3, v2;
	v4 =	vadd.s32 v1, v4;
	_ =	sdelay $0x1  }
0x149: {  	v3 =	vadd.s32 v1, v3;
	_ =	sdelay $0x2  }
0x14a: {  	[tilespmem:s31], [sflag:$0x2] =	stream.indirect_vreg.gather [hbm4b:s3+s2], $0x80, v4, vm0, $0xb8;
	[tilespmem:$0x10400] =	vst v63  }
0x14b: {  	_ = 	snop  }
0x14c: {  	[tilespmem:s0], [sflag:$0x2] =	stream.indirect_vreg.gather [hbm4b:s3+s2], $0x80, v3, vm0, $0xb8;
	[tilespmem:$0x10400] =	vst v63  }
0x14d: {  	v3 =	vld [tilespmem:s16+$0xFFFFFFD0];
	_ =	sdelay $0x4  }
0x14e: {  	v60 =	vshll.u32 v3, $0x1  }
0x14f: {  	v3 =	vand.u32 $0x7, v3;
	v4 =	vand.u32 $0xFFFFFFF0, v60  }
0x150: {  	v3 =	vor.u32 v3, v4  }
0x151: {  	v4 =	vperm.xlane v3, v0;
	_ =	sdelay $0x1  }
0x152: {  	v3 =	vperm.xlane v3, v2;
	v4 =	vadd.s32 v1, v4;
	_ =	sdelay $0x1  }
0x153: {  	v3 =	vadd.s32 v1, v3;
	_ =	sdelay $0x2  }
0x154: {  	[tilespmem:s1], [sflag:$0x2] =	stream.indirect_vreg.gather [hbm4b:s3+s2], $0x80, v4, vm0, $0xb8;
	[tilespmem:$0x10400] =	vst v63  }
0x155: {  	_ = 	snop  }
0x156: {  	[tilespmem:s4], [sflag:$0x2] =	stream.indirect_vreg.gather [hbm4b:s3+s2], $0x80, v3, vm0, $0xb8;
	[tilespmem:$0x10400] =	vst v63  }
0x157: {  	v3 =	vld [tilespmem:s16+$0xFFFFFFE0];
	_ =	sdelay $0x4  }
0x158: {  	v61 =	vshll.u32 v3, $0x1  }
0x159: {  	v3 =	vand.u32 $0x7, v3;
	v4 =	vand.u32 $0xFFFFFFF0, v61  }
0x15a: {  	v3 =	vor.u32 v3, v4  }
0x15b: {  	v4 =	vperm.xlane v3, v0;
	_ =	sdelay $0x1  }
0x15c: {  	v3 =	vperm.xlane v3, v2;
	v4 =	vadd.s32 v1, v4;
	_ =	sdelay $0x1  }
0x15d: {  	v3 =	vadd.s32 v1, v3;
	_ =	sdelay $0x2  }
0x15e: {  	[tilespmem:s5], [sflag:$0x2] =	stream.indirect_vreg.gather [hbm4b:s3+s2], $0x80, v4, vm0, $0xb8;
	[tilespmem:$0x10400] =	vst v63  }
0x15f: {  	_ = 	snop  }
0x160: {  	[tilespmem:s9], [sflag:$0x2] =	stream.indirect_vreg.gather [hbm4b:s3+s2], $0x80, v3, vm0, $0xb8;
	[tilespmem:$0x10400] =	vst v63  }
0x161: {  	v3 =	vld [tilespmem:s16+$0xFFFFFFF0];
	_ =	sdelay $0x4  }
0x162: {  	v62 =	vshll.u32 v3, $0x1  }
0x163: {  	v3 =	vand.u32 $0x7, v3;
	v4 =	vand.u32 $0xFFFFFFF0, v62  }
0x164: {  	v3 =	vor.u32 v3, v4  }
0x165: {  	v4 =	vperm.xlane v3, v0;
	_ =	sdelay $0x1  }
0x166: {  	v3 =	vperm.xlane v3, v2;
	v4 =	vadd.s32 v1, v4;
	_ =	sdelay $0x1  }
0x167: {  	v3 =	vadd.s32 v1, v3;
	_ =	sdelay $0x2  }
0x168: {  	[tilespmem:s10], [sflag:$0x2] =	stream.indirect_vreg.gather [hbm4b:s3+s2], $0x80, v4, vm0, $0xb8;
	[tilespmem:$0x10400] =	vst v63  }
0x169: {  	_ = 	snop  }
0x16a: {  	[tilespmem:s11], [sflag:$0x2] =	stream.indirect_vreg.gather [hbm4b:s3+s2], $0x80, v3, vm0, $0xb8;
	[tilespmem:$0x10400] =	vst v63  }
0x16b: {  	v3 =	vld [tilespmem:s16+$0x0];
	_ =	sdelay $0x4  }
0x16c: {  	v63 =	vshll.u32 v3, $0x1  }
0x16d: {  	v3 =	vand.u32 $0x7, v3;
	v4 =	vand.u32 $0xFFFFFFF0, v63  }
0x16e: {  	v3 =	vor.u32 v3, v4  }
0x16f: {  	v4 =	vperm.xlane v3, v0;
	_ =	sdelay $0x1  }
0x170: {  	v3 =	vperm.xlane v3, v2;
	v4 =	vadd.s32 v1, v4;
	_ =	sdelay $0x1  }
0x171: {  	v3 =	vadd.s32 v1, v3  }
.Ltmp4:
0x172: {  	_ = 	snop;
	(pc) =	sbr.rel .LBB2_2-.Ltmp4, $4  }
0x173: {  	_ = 	snop  }
0x174: {  	[tilespmem:s12], [sflag:$0x2] =	stream.indirect_vreg.gather [hbm4b:s3+s2], $0x80, v4, vm0, $0xb8;
	[tilespmem:$0x10400] =	vst v63  }
0x175: {  	s17 =	sadd.s32 $0x2000, s17;
	s16 =	sadd.s32 $0x100, s16  }
0x176: {  	[tilespmem:s13], [sflag:$0x2] =	stream.indirect_vreg.gather [hbm4b:s3+s2], $0x80, v3, vm0, $0xb8;
	[tilespmem:$0x10400] =	vst v63  }
.LBB2_7:
0x177: {  	_ =	sfence.sel $0x180000  }
0x178: {  	[bflag:$0x0] =	sbarrier.arrive $0xFFFF  }
0x179: {  	_ =	strace $0x9000004D  }
0x17a: {  	s0 =	stileid.u32;
	[bflag:$0x2] =	sbarrier.arrive $0xFFFF  }
0x17b: {  	p0 =	sne.s32 s0, $0x0;
	s0 =	rddreg [dreg:$0x1]  }
0x17c: {  	s0 =	sadd.s32 @!p0 $0x100000, s0  }
0x17d: {  	[sflag:s0] =	ssyncadd.tile.s32 @!p0 $0x1;
	_ =	shalt  }
.Lfunc_end2:
_tile_overlayer_lowered:
.L_overlay_start_2:
0x17e: {  	(tag) =	ssettag $0x2  }
0x17f: {  	s0 =	rddreg [dreg:$0x0];
	s2 =	stileid.u32  }
0x180: {  	s1 =	rddreg [dreg:$0x1];
	p0 =	sne.s32 s2, $0x0  }
0x181: {  	s3 =	rddreg [dreg:$0x2];
	[bflag:$0x3] =	sbarrier.arrive $0xFFFF;
	s2 =	simm.s32 @!p0 $0x1C03  }
0x182: {  	[timem:s3], [sflag:s2] =	dma.local @!p0 [hbm:s0], s1  }
0x183: {  	s0 =	simm.s32 @!p0 $0x3  }
0x184: {  	_ =	swait.ge @!p0 [sflag:s0], s1  }
0x185: {  	s1 =	ssub.s32 @!p0 $0x0, s1;
	[sflag:s0] =	ssyncset.done @!p0 $0x0  }
0x186: {  	[sflag:s0] =	ssyncadd.s32 @!p0 s1  }
0x187: {  	[bflag:$0x3] =	sbarrier.arrive $0xFFFF  }
0x188: {  	_ =	shalt  }

// kernel: kernel.9.cloned.1.call-start
scs
__scs_entry_jumppad:
0x0: {  	(pc) =	sbr.rel $0x88, $3  }
0x1: {  	(tag) =	ssettag $0x0;
	lr =	simm.s32 $0x1  }
0x2: {  	[smem:$0x3F99] =	sst lr;
	_ =	strace $0xD0000000  }
0x3: {  	_ = 	snop  }
0x4: {  	_ = 	snop  }
0x5: {  	_ = 	snop  }
0x6: {  	_ = 	snop  }
0x7: {  	_ = 	snop  }
__scs_overlays_trampoline_lowered:
0x8: {  	[smem:$0x3FA8] =	sst s0  }
0x9: {  	[smem:$0x3FA9] =	sst s1  }
0xa: {  	[smem:$0x3FAA] =	sst s2  }
0xb: {  	[smem:$0x3FAB] =	sst s3  }
0xc: {  	[smem:$0x3FAC] =	sst s4  }
0xd: {  	[smem:$0x3FAD] =	sst s5  }
0xe: {  	[smem:$0x3FAE] =	sst s6  }
0xf: {  	[smem:$0x3FAF] =	sst s7  }
0x10: {  	[smem:$0x3FB0] =	sst s8  }
0x11: {  	[smem:$0x3FB1] =	sst s9;
	s0 =	simm.s32 @!p0 $0x0  }
0x12: {  	s1 =	sld [smem:$0x3F97];
	s0 =	simm.s32 @p0 $0x1  }
0x13: {  	[smem:$0x3FB2] =	sst s0;
	s0 =	simm.s32 @!p1 $0x0  }
0x14: {  	s2 =	sld [smem:$0x3F96];
	s0 =	simm.s32 @p1 $0x1  }
0x15: {  	[smem:$0x3FB3] =	sst s0;
	s0 =	simm.s32 @!p2 $0x0  }
0x16: {  	s3 =	sld [smem:$0x3FDB];
	s0 =	simm.s32 @p2 $0x1  }
0x17: {  	s4 =	simm.s32 $0x1BF5;
	[smem:$0x3FB5] =	sst s0  }
0x18: {  	s0 =	sld [smem:$0x3F98];
	_ =	swait.ge [sflag:s4], $0x0  }
0x19: {  	s7 =	sld [smem:$0x3F99]  }
0x1a: {  	s8 =	sadd.s32 $0xFFFFE003, lr  }
0x1b: {  	s9 =	sadd.s32 $0xFFFFFEF7, lr;
	s5 =	simm.s32 $0xFFFFFFFF;
	p2 =	slt.u32 s8, $0xFFFFF086  }
0x1c: {  	p1 =	slt.u32 s9, $0xF7A;
	s5 =	simm.s32 @!p2 $0x0  }
0x1d: {  	s5 =	simm.s32 @p1 $0x1;
	p0 =	seq.s32 s7, s2  }
0x1e: {  	s7 =	smul.u32 @!p0 $0xF7A, s2;
	p2 =	seq.s32 @!p0 s5, $0x0  }
0x1f: {  	s9 =	smul.u32 $0xF7A, s1;
	s8 =	simm.s32 @!p0 $0x1BF5;
	p2 =	por !p2, p0  }
0x20: {  	[sflag:s8] =	ssyncset.s32 @!p0 $0xFFFFF086;
	s6 =	sadd.s32 @!p0 s3, s7;
	s7 =	simm.s32 @!p0 $0x108  }
0x21: {  	s3 =	sadd.s32 s3, s9;
	s6 =	sadd.s32 @!p0 $0x88, s6;
	s7 =	simm.s32 @p2 $0x1082  }
0x22: {  	[simem:s7], [sflag:s8] =	dma.local @!p0 [hbm:s6], $0xF7A  }
0x23: {  	s9 =	sor.u32 $0xD0000000, s2;
	s6 =	simm.s32 $0x108;
	_ =	swait.ge @!p0 [sflag:s8], $0x0  }
0x24: {  	s3 =	sadd.s32 $0x88, s3;
	s6 =	simm.s32 @!p1 $0x1082;
	[sflag:s4] =	ssyncset.s32 $0xFFFFF086  }
0x25: {  	[simem:s6], [sflag:s4] =	dma.local [hbm:s3], $0xF7A  }
0x26: {  	[smem:$0x3F99] =	sst s1;
	(tag) =	ssettag s2;
	_ =	strace s9  }
0x27: {  	s1 =	sld [smem:$0x3FA9]  }
0x28: {  	s2 =	sld [smem:$0x3FAA]  }
0x29: {  	s4 =	sld [smem:$0x3FAC]  }
0x2a: {  	p0 =	seq.s32 s5, $0x0;
	s5 =	sld [smem:$0x3FAD]  }
0x2b: {  	s6 =	sld [smem:$0x3FAE]  }
0x2c: {  	s7 =	sld [smem:$0x3FAF]  }
0x2d: {  	s3 =	simm.s32 $0x108;
	s8 =	sld [smem:$0x3FB0]  }
0x2e: {  	s3 =	simm.s32 @!p0 $0x1082;
	s9 =	sld [smem:$0x3FB1]  }
0x2f: {  	lr =	sadd.s32 s0, s3;
	s0 =	sld [smem:$0x3FA8]  }
0x30: {  	s3 =	sld [smem:$0x3FAB]  }
0x31: {  	[smem:$0x3FB4] =	sst s10  }
0x32: {  	s10 =	sld [smem:$0x3FB2];
	_ =	sdelay $0x3  }
0x33: {  	p0 =	seq.s32 s10, $0x1;
	s10 =	sld [smem:$0x3FB4];
	_ =	sdelay $0x3  }
0x34: {  	[smem:$0x3FB4] =	sst s10  }
0x35: {  	s10 =	sld [smem:$0x3FB3];
	_ =	sdelay $0x3  }
0x36: {  	p1 =	seq.s32 s10, $0x1;
	s10 =	sld [smem:$0x3FB4];
	_ =	sdelay $0x3  }
0x37: {  	[smem:$0x3FB4] =	sst s10  }
0x38: {  	s10 =	sld [smem:$0x3FB5]  }
0x39: {  	_ = 	snop;
	(pc) =	sbr.ind lr, $3  }
0x3a: {  	_ = 	snop  }
0x3b: {  	_ = 	snop  }
0x3c: {  	p2 =	seq.s32 s10, $0x1;
	s10 =	sld [smem:$0x3FB4]  }
0x3d: {  	_ =	shalt  }
0x3e: {  	_ =	shalt  }
0x3f: {  	_ =	shalt  }
0x40: {  	_ =	shalt  }
0x41: {  	_ =	shalt  }
0x42: {  	_ =	shalt  }
0x43: {  	_ =	shalt  }
0x44: {  	_ =	shalt  }
0x45: {  	_ =	shalt  }
0x46: {  	_ =	shalt  }
0x47: {  	_ =	shalt  }
0x48: {  	_ =	shalt  }
0x49: {  	_ =	shalt  }
0x4a: {  	_ =	shalt  }
0x4b: {  	_ =	shalt  }
0x4c: {  	_ =	shalt  }
0x4d: {  	_ =	shalt  }
0x4e: {  	_ =	shalt  }
0x4f: {  	_ =	shalt  }
0x50: {  	_ =	shalt  }
0x51: {  	_ =	shalt  }
0x52: {  	_ =	shalt  }
0x53: {  	_ =	shalt  }
0x54: {  	_ =	shalt  }
0x55: {  	_ =	shalt  }
0x56: {  	_ =	shalt  }
0x57: {  	_ =	shalt  }
0x58: {  	_ =	shalt  }
0x59: {  	_ =	shalt  }
0x5a: {  	_ =	shalt  }
0x5b: {  	_ =	shalt  }
0x5c: {  	_ =	shalt  }
0x5d: {  	_ =	shalt  }
0x5e: {  	_ =	shalt  }
0x5f: {  	_ =	shalt  }
0x60: {  	_ =	shalt  }
0x61: {  	_ =	shalt  }
0x62: {  	_ =	shalt  }
0x63: {  	_ =	shalt  }
0x64: {  	_ =	shalt  }
0x65: {  	_ =	shalt  }
0x66: {  	_ =	shalt  }
0x67: {  	_ =	shalt  }
0x68: {  	_ =	shalt  }
0x69: {  	_ =	shalt  }
0x6a: {  	_ =	shalt  }
0x6b: {  	_ =	shalt  }
0x6c: {  	_ =	shalt  }
0x6d: {  	_ =	shalt  }
0x6e: {  	_ =	shalt  }
0x6f: {  	_ =	shalt  }
0x70: {  	_ =	shalt  }
0x71: {  	_ =	shalt  }
0x72: {  	_ =	shalt  }
0x73: {  	_ =	shalt  }
0x74: {  	_ =	shalt  }
0x75: {  	_ =	shalt  }
0x76: {  	_ =	shalt  }
0x77: {  	_ =	shalt  }
0x78: {  	_ =	shalt  }
0x79: {  	_ =	shalt  }
0x7a: {  	_ =	shalt  }
0x7b: {  	_ =	shalt  }
0x7c: {  	_ =	shalt  }
0x7d: {  	_ =	shalt  }
0x7e: {  	_ =	shalt  }
0x7f: {  	_ =	shalt  }
0x80: {  	_ =	shalt  }
0x81: {  	_ =	shalt  }
0x82: {  	_ =	shalt  }
0x83: {  	_ =	shalt  }
0x84: {  	_ =	shalt  }
0x85: {  	_ =	shalt  }
0x86: {  	_ =	shalt  }
0x87: {  	_ =	shalt  }
.Lfunc_end0:
.L_simem_size_0:
called_computation.3_lowered:
.L_overlay_start_0:
0x88: {  	s2 =	sld [smem:$0x3FD9]  }
0x89: {  	s3 =	sld [smem:$0x3FFE];
	_ =	sdelay $0x1  }
0x8a: {  	s1 =	srdreg.scid  }
0x8b: {  	s0 =	sand.u32 $0x1, s1  }
0x8c: {  	s17 =	sshll.u32 s0, $0xA;
	s2 =	sadd.s32 s3, s2  }
0x8d: {  	s2 =	sadd.s32 s2, s17  }
0x8e: {  	[smem:$0x3FC0] =	sst s2  }
0x8f: {  	_ = 	snop  }
0x90: {  	(tm) =	ssettm $0x1  }
0x91: {  	s18 =	sld [smem:$0x3FFB];
	_ =	sdelay $0x3  }
0x92: {  	_ =	strace s18  }
0x93: {  	s2 =	sld [smem:$0x3FFC];
	_ =	sdelay $0x3  }
0x94: {  	_ =	strace s2  }
0x95: {  	s2 =	sld [smem:$0x3FFD];
	_ =	sdelay $0x3  }
0x96: {  	_ =	strace s2  }
0x97: {  	_ =	strace $0x8FFFFFFF  }
0x98: {  	s19 =	sld [smem:$0x3FDB];
	_ =	sdelay $0x1  }
0x99: {  	s20 =	simm.s32 $_scs_section_size  }
0x9a: {  	s4 =	simm.s32 $_size__tile_overlayer_lowered;
	s5 =	simm.s32 $_tile_overlayer_lowered  }
0x9b: {  	s6 =	simm.s32 $0x1BFF;
	s21 =	sshll.u32 s5, $0x1;
	s3 =	sadd.s32 s20, s19  }
0x9c: {  	s22 =	simm.s32 $0x0;
	s4 =	sshll.u32 s4, $0x1;
	s5 =	sadd.s32 s21, s3  }
0x9d: {  	[timem:s22], [sflag:s6] =	dma.local [hbm:s5], s4  }
0x9e: {  	_ =	swait.ge [sflag:s6], s4  }
0x9f: {  	s4 =	ssub.s32 $0x0, s4;
	[sflag:s6] =	ssyncset.done $0x0  }
0xa0: {  	[sflag:s6] =	ssyncadd.s32 s4;
	_ =	sdelay $0x1  }
0xa1: {  	s23 =	simm.s32 $0x1B8B  }
0xa2: {  	_ =	swait.ge [sflag:s23], $0x1  }
0xa3: {  	[sflag:s23] =	ssyncset.done $0x0  }
0xa4: {  	[sflag:s23] =	ssyncadd.s32 $0xFFFFFFFF  }
0xa5: {  	s4 =	sld [smem:$0x0]  }
0xa6: {  	s5 =	sand.u32 $0xFFFFFFFE, s1  }
0xa7: {  	p0 =	sne.s32 s1, s5  }
0xa8: {  	s5 =	sshll.u32 @p0 s5, $0xE  }
0xa9: {  	s5 =	sadd.s32 @p0 $0x11B8D, s5;
	s6 =	sshll.u32 @p0 s4, $0x11  }
0xaa: {  	s5 =	sor.u32 @p0 s6, s5  }
0xab: {  	[sflag:s5] =	ssyncadd.remote.s32 @p0 $0x1;
	_ =	sdelay $0x1  }
0xac: {  	s5 =	simm.s32 @p0 $0x1B8D  }
0xad: {  	_ =	swait.eq @p0 [sflag:s5], $0x1  }
0xae: {  	[sflag:s5] =	ssyncadd.s32 @p0 $0xFFFFFFFF  }
0xaf: {  	s6 =	sshll.u32 @!p0 s1, $0xE  }
0xb0: {  	s6 =	sor.u32 @!p0 $0x4000, s6;
	s5 =	simm.s32 @!p0 $0x1B8D  }
0xb1: {  	s4 =	sshll.u32 @!p0 s4, $0x11;
	s6 =	sadd.s32 @!p0 $0x11B8D, s6;
	_ =	swait.eq @!p0 [sflag:s5], $0x1  }
0xb2: {  	s4 =	sor.u32 @!p0 s4, s6;
	[sflag:s5] =	ssyncadd.s32 @!p0 $0xFFFFFFFF  }
0xb3: {  	s25 =	simm.s32 $0x1B8E;
	s24 =	sld [smem:$0x3FFE];
	[sflag:s4] =	ssyncadd.remote.s32 @!p0 $0x1  }
0xb4: {  	s26 =	simm.s32 $execute0_lowered;
	[smem:$0x3FD2] =	sst s25  }
0xb5: {  	s5 =	sshll.u32 s26, $0x1;
	_ =	strace $0x8000004F;
	[dreg:$0x1] =	wrdreg $0xFFFFFFFF  }
0xb6: {  	s28 =	simm.s32 $_size_execute0_lowered;
	s3 =	sadd.s32 s3, s5;
	[dreg:$0x0] =	wrdreg $0x0  }
0xb7: {  	s5 =	sshll.u32 s28, $0x1;
	[dreg:$0x2] =	wrdreg s3  }
0xb8: {  	[dreg:$0x3] =	wrdreg s5  }
0xb9: {  	[dreg:$0x4] =	wrdreg $0xC0  }
0xba: {  	_ =	task [dreg:s22], $0x5FFFF  }
0xbb: {  	[dreg:$0x1] =	wrdreg $0xFFFFFFFF  }
0xbc: {  	[dreg:$0x0] =	wrdreg $0x60  }
0xbd: {  	[dreg:$0x2] =	wrdreg s24  }
0xbe: {  	[dreg:$0x3] =	wrdreg $0xA  }
0xbf: {  	_ =	task.clear_ibuf [dreg:s22], $0x4FFFF;
	_ =	strace $0x9000004F  }
0xc0: {  	s29 =	simm.s32 $0xA;
	_ =	strace $0x80000051  }
0xc1: {  	_ =	swait.ge [sflag:s29], $0x1  }
0xc2: {  	[sflag:s29] =	ssyncadd.s32 $0xFFFFFFFF  }
0xc3: {  	_ =	strace $0x90000051  }
0xc4: {  	_ =	sfence  }
0xc5: {  	s30 =	sld [smem:$0x0];
	_ =	sdelay $0x2  }
0xc6: {  	s31 =	sshll.u32 s1, $0xD;
	s1 =	sshrl.u32 s1, $0x2  }
0xc7: {  	s4 =	sand.u32 $0x4000, s31;
	s1 =	sadd.s32 s1, s30  }
0xc8: {  	s0 =	sor.u32 s4, s0;
	s1 =	sshll.u32 s1, $0x11  }
0xc9: {  	s0 =	sor.u32 s1, s0  }
0xca: {  	s0 =	sadd.s32 $0x8F2B, s0  }
0xcb: {  	[sflag:s0] =	ssyncadd.remote.s32 $0x1  }
0xcc: {  	_ =	sfence.sel $0xFFFF  }
0xcd: {  	[dreg:$0x0] =	wrdreg $0xFFFFFFFF;
	(pc) =	sbr.abs _section_cstart, $3  }
0xce: {  	[dreg:$0x1] =	wrdreg $0xFFFFFFFF  }
0xcf: {  	_ =	task.clear_ibuf [dreg:s22], $0x2FFFF;
	_ =	strace $0x9FFFFFFF  }
0xd0: {  	(tm) =	ssettm $0x7FFFFFFF  }
0xd1: {  	_ =	shalt  }
tec
execute0_lowered:
.L_overlay_start_1:
0x0: {  	(tag) =	ssettag $0x1  }
0x1: {  	s0 =	rddreg [dreg:$0x0];
	s1 =	srdreg.scid;
	s2 =	simm.s32 $0x0  }
0x2: {  	s6 =	stileid.u32;
	s8 =	simm.s32 $0x400;
	s20 =	simm.s32 $0x6400  }
0x3: {  	s21 =	simm.s32 $0x6C00;
	s22 =	simm.s32 $0x7400;
	s28 =	simm.s32 $0x9C00  }
0x4: {  	s29 =	simm.s32 $0xA400;
	s30 =	simm.s32 $0xAC00;
	s31 =	simm.s32 $0xB400  }
0x5: {  	s9 =	simm.s32 $0xDC00;
	s10 =	simm.s32 $0xE400;
	s11 =	simm.s32 $0xEC00  }
0x6: {  	s12 =	simm.s32 $0xF400;
	s13 =	simm.s32 $0xFC00;
	s14 =	simm.s32 $0x1  }
0x7: {  	s15 =	simm.s32 $0x2;
	s17 =	simm.s32 $0x0;
	s1 =	sand.u32 $0x1, s1  }
0x8: {  	[smem:$0x7FF] =	sst s2;
	s4 =	sshll.u32 s6, $0xB;
	s3 =	sadd.s32 $0x2200, s0  }
0x9: {  	s23 =	sshll.u32 s6, $0x10;
	s5 =	sshll.u32 s1, $0xA;
	_ =	strace $0x80000050  }
0xa: {  	s24 =	ssub.s32 $0x2, s1;
	s1 =	sshll.u32 s1, $0xF;
	s4 =	sor.u32 s5, s4  }
0xb: {  	s5 =	sadd.s32 s23, s0;
	s7 =	sshrl.u32 s24, $0x1;
	s23 =	simm.s32 $0x7C00  }
0xc: {  	s4 =	sshrl.u32 s4, $0x3;
	s25 =	ssub.s32 s24, s7;
	s1 =	sadd.s32 s1, s5  }
.Ltmp0:
0xd: {  	s7 =	simm.s32 $0x3;
	s24 =	simm.s32 $0x8400;
	(pc) =	sbr.rel .LBB2_1-.Ltmp0, $4  }
0xe: {  	s5 =	simm.s32 $0xD400;
	s0 =	sadd.s32 s4, s0;
	s26 =	smax.u32 s25, $0x1  }
0xf: {  	v2 =	vlaneseq.u32;
	s6 =	sadd.s32 $0x311C00, s1;
	s25 =	simm.s32 $0x8C00;
	s1 =	simm.s32 $0xC400  }
0x10: {  	vm0 =	vmmov $0xffff;
	v1 =	vshrl.u32 v2, $0x3;
	s4 =	simm.s32 $0xCC00;
	s0 =	sadd.s32 $0x310C00, s0;
	[dreg:$0x3] =	wrdreg s26  }
0x11: {  	v0 =	vand.u32 $0x7, v2;
	v2 =	vor.u32 $0x8, v2;
	v1 =	vmul.u32 $0x8, v1;
	s26 =	simm.s32 $0x9400;
	[dreg:$0x2] =	wrdreg s0;
	s0 =	simm.s32 $0xBC00  }
.LBB2_6:
0x12: {  	s17 =	rddreg [dreg:$0x4]  }
0x13: {  	s16 =	rddreg [dreg:$0x3];
	s17 =	sadd.s32 $0x1, s17  }
0x14: {  	p0 =	sne.s32 s17, s16  }
.Ltmp1:
0x15: {  	_ = 	snop;
	(pc) =	sbr.rel @!p0 .LBB2_7-.Ltmp1, $1  }
0x16: {  	_ =	sdelay $0x3  }
.LBB2_1:
0x17: {  	[dreg:$0x4] =	wrdreg s17  }
0x18: {  	s16 =	rddreg [dreg:$0x2]  }
0x19: {  	[tilespmem:s2], [sflag:$0x3] =	stream.linear.gather [hbm4b:s16+s2], $0x400, $0x38;
	[tilespmem:$0x10400] =	vst v63  }
0x1a: {  	_ =	swait.ge [sflag:s7], $0x400  }
0x1b: {  	[sflag:s7] =	ssyncset.done $0x0  }
0x1c: {  	[sflag:s7] =	ssyncadd.s32 $0xFFFFFC00  }
0x1d: {  	v3 =	vld [tilespmem:$0x0];
	_ =	sdelay $0x4  }
0x1e: {  	v4 =	vshll.u32 v3, $0x1  }
0x1f: {  	v3 =	vand.u32 $0x7, v3;
	v4 =	vand.u32 $0xFFFFFFF0, v4  }
0x20: {  	v3 =	vor.u32 v3, v4  }
0x21: {  	v4 =	vperm.xlane v3, v0;
	_ =	sdelay $0x1  }
0x22: {  	v3 =	vperm.xlane v3, v2;
	v4 =	vadd.s32 v1, v4;
	_ =	sdelay $0x1  }
0x23: {  	v3 =	vadd.s32 v1, v3;
	_ =	sdelay $0x2  }
0x24: {  	[tilespmem:s8], [sflag:$0x1] =	stream.indirect_vreg.gather [hbm4b:s3+s2], $0x80, v4, vm0, $0xb8;
	[tilespmem:$0x10400] =	vst v63  }
0x25: {  	s18 =	simm.s32 $0xC00  }
0x26: {  	[tilespmem:s18], [sflag:$0x1] =	stream.indirect_vreg.gather [hbm4b:s3+s2], $0x80, v3, vm0, $0xb8;
	[tilespmem:$0x10400] =	vst v63  }
0x27: {  	v3 =	vld [tilespmem:$0x10];
	_ =	sdelay $0x4  }
0x28: {  	v49 =	vshll.u32 v3, $0x1  }
0x29: {  	v3 =	vand.u32 $0x7, v3;
	v4 =	vand.u32 $0xFFFFFFF0, v49  }
0x2a: {  	v3 =	vor.u32 v3, v4  }
0x2b: {  	v4 =	vperm.xlane v3, v0;
	_ =	sdelay $0x1  }
0x2c: {  	v3 =	vperm.xlane v3, v2;
	v4 =	vadd.s32 v1, v4;
	_ =	sdelay $0x1  }
0x2d: {  	v3 =	vadd.s32 v1, v3;
	_ =	sdelay $0x1  }
0x2e: {  	s19 =	simm.s32 $0x1400  }
0x2f: {  	[tilespmem:s19], [sflag:$0x1] =	stream.indirect_vreg.gather [hbm4b:s3+s2], $0x80, v4, vm0, $0xb8;
	[tilespmem:$0x10400] =	vst v63  }
0x30: {  	s17 =	simm.s32 $0x1C00  }
0x31: {  	[tilespmem:s17], [sflag:$0x1] =	stream.indirect_vreg.gather [hbm4b:s3+s2], $0x80, v3, vm0, $0xb8;
	[tilespmem:$0x10400] =	vst v63  }
0x32: {  	v3 =	vld [tilespmem:$0x20];
	_ =	sdelay $0x4  }
0x33: {  	v50 =	vshll.u32 v3, $0x1  }
0x34: {  	v3 =	vand.u32 $0x7, v3;
	v4 =	vand.u32 $0xFFFFFFF0, v50  }
0x35: {  	v3 =	vor.u32 v3, v4  }
0x36: {  	v4 =	vperm.xlane v3, v0;
	_ =	sdelay $0x1  }
0x37: {  	v3 =	vperm.xlane v3, v2;
	v4 =	vadd.s32 v1, v4;
	_ =	sdelay $0x1  }
0x38: {  	v3 =	vadd.s32 v1, v3;
	_ =	sdelay $0x1  }
0x39: {  	s18 =	simm.s32 $0x2400  }
0x3a: {  	[tilespmem:s18], [sflag:$0x1] =	stream.indirect_vreg.gather [hbm4b:s3+s2], $0x80, v4, vm0, $0xb8;
	[tilespmem:$0x10400] =	vst v63  }
0x3b: {  	s19 =	simm.s32 $0x2C00  }
0x3c: {  	[tilespmem:s19], [sflag:$0x1] =	stream.indirect_vreg.gather [hbm4b:s3+s2], $0x80, v3, vm0, $0xb8;
	[tilespmem:$0x10400] =	vst v63  }
0x3d: {  	v3 =	vld [tilespmem:$0x30];
	_ =	sdelay $0x4  }
0x3e: {  	v51 =	vshll.u32 v3, $0x1  }
0x3f: {  	v3 =	vand.u32 $0x7, v3;
	v4 =	vand.u32 $0xFFFFFFF0, v51  }
0x40: {  	v3 =	vor.u32 v3, v4  }
0x41: {  	v4 =	vperm.xlane v3, v0;
	_ =	sdelay $0x1  }
0x42: {  	v3 =	vperm.xlane v3, v2;
	v4 =	vadd.s32 v1, v4;
	_ =	sdelay $0x1  }
0x43: {  	v3 =	vadd.s32 v1, v3;
	_ =	sdelay $0x1  }
0x44: {  	s17 =	simm.s32 $0x3400  }
0x45: {  	[tilespmem:s17], [sflag:$0x1] =	stream.indirect_vreg.gather [hbm4b:s3+s2], $0x80, v4, vm0, $0xb8;
	[tilespmem:$0x10400] =	vst v63  }
0x46: {  	s18 =	simm.s32 $0x3C00  }
0x47: {  	[tilespmem:s18], [sflag:$0x1] =	stream.indirect_vreg.gather [hbm4b:s3+s2], $0x80, v3, vm0, $0xb8;
	[tilespmem:$0x10400] =	vst v63  }
0x48: {  	v3 =	vld [tilespmem:$0x40];
	_ =	sdelay $0x4  }
0x49: {  	v52 =	vshll.u32 v3, $0x1  }
0x4a: {  	v3 =	vand.u32 $0x7, v3;
	v4 =	vand.u32 $0xFFFFFFF0, v52  }
0x4b: {  	v3 =	vor.u32 v3, v4  }
0x4c: {  	v4 =	vperm.xlane v3, v0;
	_ =	sdelay $0x1  }
0x4d: {  	v3 =	vperm.xlane v3, v2;
	v4 =	vadd.s32 v1, v4;
	_ =	sdelay $0x1  }
0x4e: {  	v3 =	vadd.s32 v1, v3;
	_ =	sdelay $0x1  }
0x4f: {  	s19 =	simm.s32 $0x4400  }
0x50: {  	[tilespmem:s19], [sflag:$0x1] =	stream.indirect_vreg.gather [hbm4b:s3+s2], $0x80, v4, vm0, $0xb8;
	[tilespmem:$0x10400] =	vst v63  }
0x51: {  	s17 =	simm.s32 $0x4C00  }
0x52: {  	[tilespmem:s17], [sflag:$0x1] =	stream.indirect_vreg.gather [hbm4b:s3+s2], $0x80, v3, vm0, $0xb8;
	[tilespmem:$0x10400] =	vst v63  }
0x53: {  	v3 =	vld [tilespmem:$0x50];
	_ =	sdelay $0x4  }
0x54: {  	v53 =	vshll.u32 v3, $0x1  }
0x55: {  	v3 =	vand.u32 $0x7, v3;
	v4 =	vand.u32 $0xFFFFFFF0, v53  }
0x56: {  	v3 =	vor.u32 v3, v4  }
0x57: {  	v4 =	vperm.xlane v3, v0;
	_ =	sdelay $0x1  }
0x58: {  	v3 =	vperm.xlane v3, v2;
	v4 =	vadd.s32 v1, v4;
	_ =	sdelay $0x1  }
0x59: {  	v3 =	vadd.s32 v1, v3;
	_ =	sdelay $0x1  }
0x5a: {  	s18 =	simm.s32 $0x5400  }
0x5b: {  	[tilespmem:s18], [sflag:$0x1] =	stream.indirect_vreg.gather [hbm4b:s3+s2], $0x80, v4, vm0, $0xb8;
	[tilespmem:$0x10400] =	vst v63  }
0x5c: {  	s19 =	simm.s32 $0x5C00  }
0x5d: {  	[tilespmem:s19], [sflag:$0x1] =	stream.indirect_vreg.gather [hbm4b:s3+s2], $0x80, v3, vm0, $0xb8;
	[tilespmem:$0x10400] =	vst v63  }
0x5e: {  	v3 =	vld [tilespmem:$0x60];
	_ =	sdelay $0x4  }
0x5f: {  	v54 =	vshll.u32 v3, $0x1  }
0x60: {  	v3 =	vand.u32 $0x7, v3;
	v4 =	vand.u32 $0xFFFFFFF0, v54  }
0x61: {  	v3 =	vor.u32 v3, v4  }
0x62: {  	v4 =	vperm.xlane v3, v0;
	_ =	sdelay $0x1  }
0x63: {  	v3 =	vperm.xlane v3, v2;
	v4 =	vadd.s32 v1, v4;
	_ =	sdelay $0x1  }
0x64: {  	v3 =	vadd.s32 v1, v3;
	_ =	sdelay $0x2  }
0x65: {  	[tilespmem:s20], [sflag:$0x1] =	stream.indirect_vreg.gather [hbm4b:s3+s2], $0x80, v4, vm0, $0xb8;
	[tilespmem:$0x10400] =	vst v63  }
0x66: {  	_ = 	snop  }
0x67: {  	[tilespmem:s21], [sflag:$0x1] =	stream.indirect_vreg.gather [hbm4b:s3+s2], $0x80, v3, vm0, $0xb8;
	[tilespmem:$0x10400] =	vst v63  }
0x68: {  	v3 =	vld [tilespmem:$0x70];
	_ =	sdelay $0x4  }
0x69: {  	v55 =	vshll.u32 v3, $0x1  }
0x6a: {  	v3 =	vand.u32 $0x7, v3;
	v4 =	vand.u32 $0xFFFFFFF0, v55  }
0x6b: {  	v3 =	vor.u32 v3, v4  }
0x6c: {  	v4 =	vperm.xlane v3, v0;
	_ =	sdelay $0x1  }
0x6d: {  	v3 =	vperm.xlane v3, v2;
	v4 =	vadd.s32 v1, v4;
	_ =	sdelay $0x1  }
0x6e: {  	v3 =	vadd.s32 v1, v3;
	_ =	sdelay $0x2  }
0x6f: {  	[tilespmem:s22], [sflag:$0x1] =	stream.indirect_vreg.gather [hbm4b:s3+s2], $0x80, v4, vm0, $0xb8;
	[tilespmem:$0x10400] =	vst v63  }
0x70: {  	_ = 	snop  }
0x71: {  	[tilespmem:s23], [sflag:$0x1] =	stream.indirect_vreg.gather [hbm4b:s3+s2], $0x80, v3, vm0, $0xb8;
	[tilespmem:$0x10400] =	vst v63  }
0x72: {  	v3 =	vld [tilespmem:$0x80];
	_ =	sdelay $0x4  }
0x73: {  	v56 =	vshll.u32 v3, $0x1  }
0x74: {  	v3 =	vand.u32 $0x7, v3;
	v4 =	vand.u32 $0xFFFFFFF0, v56  }
0x75: {  	v3 =	vor.u32 v3, v4  }
0x76: {  	v4 =	vperm.xlane v3, v0;
	_ =	sdelay $0x1  }
0x77: {  	v3 =	vperm.xlane v3, v2;
	v4 =	vadd.s32 v1, v4;
	_ =	sdelay $0x1  }
0x78: {  	v3 =	vadd.s32 v1, v3;
	_ =	sdelay $0x2  }
0x79: {  	[tilespmem:s24], [sflag:$0x2] =	stream.indirect_vreg.gather [hbm4b:s3+s2], $0x80, v4, vm0, $0xb8;
	[tilespmem:$0x10400] =	vst v63  }
0x7a: {  	_ = 	snop  }
0x7b: {  	[tilespmem:s25], [sflag:$0x2] =	stream.indirect_vreg.gather [hbm4b:s3+s2], $0x80, v3, vm0, $0xb8;
	[tilespmem:$0x10400] =	vst v63  }
0x7c: {  	v3 =	vld [tilespmem:$0x90];
	_ =	sdelay $0x4  }
0x7d: {  	v57 =	vshll.u32 v3, $0x1  }
0x7e: {  	v3 =	vand.u32 $0x7, v3;
	v4 =	vand.u32 $0xFFFFFFF0, v57  }
0x7f: {  	v3 =	vor.u32 v3, v4  }
0x80: {  	v4 =	vperm.xlane v3, v0;
	_ =	sdelay $0x1  }
0x81: {  	v3 =	vperm.xlane v3, v2;
	v4 =	vadd.s32 v1, v4;
	_ =	sdelay $0x1  }
0x82: {  	v3 =	vadd.s32 v1, v3;
	_ =	sdelay $0x2  }
0x83: {  	[tilespmem:s26], [sflag:$0x2] =	stream.indirect_vreg.gather [hbm4b:s3+s2], $0x80, v4, vm0, $0xb8;
	[tilespmem:$0x10400] =	vst v63  }
0x84: {  	_ = 	snop  }
0x85: {  	[tilespmem:s28], [sflag:$0x2] =	stream.indirect_vreg.gather [hbm4b:s3+s2], $0x80, v3, vm0, $0xb8;
	[tilespmem:$0x10400] =	vst v63  }
0x86: {  	v3 =	vld [tilespmem:$0xA0];
	_ =	sdelay $0x4  }
0x87: {  	v58 =	vshll.u32 v3, $0x1  }
0x88: {  	v3 =	vand.u32 $0x7, v3;
	v4 =	vand.u32 $0xFFFFFFF0, v58  }
0x89: {  	v3 =	vor.u32 v3, v4  }
0x8a: {  	v4 =	vperm.xlane v3, v0;
	_ =	sdelay $0x1  }
0x8b: {  	v3 =	vperm.xlane v3, v2;
	v4 =	vadd.s32 v1, v4;
	_ =	sdelay $0x1  }
0x8c: {  	v3 =	vadd.s32 v1, v3;
	_ =	sdelay $0x2  }
0x8d: {  	[tilespmem:s29], [sflag:$0x2] =	stream.indirect_vreg.gather [hbm4b:s3+s2], $0x80, v4, vm0, $0xb8;
	[tilespmem:$0x10400] =	vst v63  }
0x8e: {  	_ = 	snop  }
0x8f: {  	[tilespmem:s30], [sflag:$0x2] =	stream.indirect_vreg.gather [hbm4b:s3+s2], $0x80, v3, vm0, $0xb8;
	[tilespmem:$0x10400] =	vst v63  }
0x90: {  	v3 =	vld [tilespmem:$0xB0];
	_ =	sdelay $0x4  }
0x91: {  	v59 =	vshll.u32 v3, $0x1  }
0x92: {  	v3 =	vand.u32 $0x7, v3;
	v4 =	vand.u32 $0xFFFFFFF0, v59  }
0x93: {  	v3 =	vor.u32 v3, v4  }
0x94: {  	v4 =	vperm.xlane v3, v0;
	_ =	sdelay $0x1  }
0x95: {  	v3 =	vperm.xlane v3, v2;
	v4 =	vadd.s32 v1, v4;
	_ =	sdelay $0x1  }
0x96: {  	v3 =	vadd.s32 v1, v3;
	_ =	sdelay $0x2  }
0x97: {  	[tilespmem:s31], [sflag:$0x2] =	stream.indirect_vreg.gather [hbm4b:s3+s2], $0x80, v4, vm0, $0xb8;
	[tilespmem:$0x10400] =	vst v63  }
0x98: {  	_ = 	snop  }
0x99: {  	[tilespmem:s0], [sflag:$0x2] =	stream.indirect_vreg.gather [hbm4b:s3+s2], $0x80, v3, vm0, $0xb8;
	[tilespmem:$0x10400] =	vst v63  }
0x9a: {  	v3 =	vld [tilespmem:$0xC0];
	_ =	sdelay $0x4  }
0x9b: {  	v60 =	vshll.u32 v3, $0x1  }
0x9c: {  	v3 =	vand.u32 $0x7, v3;
	v4 =	vand.u32 $0xFFFFFFF0, v60  }
0x9d: {  	v3 =	vor.u32 v3, v4  }
0x9e: {  	v4 =	vperm.xlane v3, v0;
	_ =	sdelay $0x1  }
0x9f: {  	v3 =	vperm.xlane v3, v2;
	v4 =	vadd.s32 v1, v4;
	_ =	sdelay $0x1  }
0xa0: {  	v3 =	vadd.s32 v1, v3;
	_ =	sdelay $0x2  }
0xa1: {  	[tilespmem:s1], [sflag:$0x2] =	stream.indirect_vreg.gather [hbm4b:s3+s2], $0x80, v4, vm0, $0xb8;
	[tilespmem:$0x10400] =	vst v63  }
0xa2: {  	_ = 	snop  }
0xa3: {  	[tilespmem:s4], [sflag:$0x2] =	stream.indirect_vreg.gather [hbm4b:s3+s2], $0x80, v3, vm0, $0xb8;
	[tilespmem:$0x10400] =	vst v63  }
0xa4: {  	v3 =	vld [tilespmem:$0xD0];
	_ =	sdelay $0x4  }
0xa5: {  	v61 =	vshll.u32 v3, $0x1  }
0xa6: {  	v3 =	vand.u32 $0x7, v3;
	v4 =	vand.u32 $0xFFFFFFF0, v61  }
0xa7: {  	v3 =	vor.u32 v3, v4  }
0xa8: {  	v4 =	vperm.xlane v3, v0;
	_ =	sdelay $0x1  }
0xa9: {  	v3 =	vperm.xlane v3, v2;
	v4 =	vadd.s32 v1, v4;
	_ =	sdelay $0x1  }
0xaa: {  	v3 =	vadd.s32 v1, v3;
	_ =	sdelay $0x2  }
0xab: {  	[tilespmem:s5], [sflag:$0x2] =	stream.indirect_vreg.gather [hbm4b:s3+s2], $0x80, v4, vm0, $0xb8;
	[tilespmem:$0x10400] =	vst v63  }
0xac: {  	_ = 	snop  }
0xad: {  	[tilespmem:s9], [sflag:$0x2] =	stream.indirect_vreg.gather [hbm4b:s3+s2], $0x80, v3, vm0, $0xb8;
	[tilespmem:$0x10400] =	vst v63  }
0xae: {  	v3 =	vld [tilespmem:$0xE0];
	_ =	sdelay $0x4  }
0xaf: {  	v62 =	vshll.u32 v3, $0x1  }
0xb0: {  	v3 =	vand.u32 $0x7, v3;
	v4 =	vand.u32 $0xFFFFFFF0, v62  }
0xb1: {  	v3 =	vor.u32 v3, v4  }
0xb2: {  	v4 =	vperm.xlane v3, v0;
	_ =	sdelay $0x1  }
0xb3: {  	v3 =	vperm.xlane v3, v2;
	v4 =	vadd.s32 v1, v4;
	_ =	sdelay $0x1  }
0xb4: {  	v3 =	vadd.s32 v1, v3;
	_ =	sdelay $0x2  }
0xb5: {  	[tilespmem:s10], [sflag:$0x2] =	stream.indirect_vreg.gather [hbm4b:s3+s2], $0x80, v4, vm0, $0xb8;
	[tilespmem:$0x10400] =	vst v63  }
0xb6: {  	_ = 	snop  }
0xb7: {  	[tilespmem:s11], [sflag:$0x2] =	stream.indirect_vreg.gather [hbm4b:s3+s2], $0x80, v3, vm0, $0xb8;
	[tilespmem:$0x10400] =	vst v63  }
0xb8: {  	v3 =	vld [tilespmem:$0xF0];
	_ =	sdelay $0x4  }
0xb9: {  	v63 =	vshll.u32 v3, $0x1  }
0xba: {  	v3 =	vand.u32 $0x7, v3;
	v4 =	vand.u32 $0xFFFFFFF0, v63  }
0xbb: {  	v3 =	vor.u32 v3, v4  }
0xbc: {  	v4 =	vperm.xlane v3, v0;
	_ =	sdelay $0x1  }
0xbd: {  	v3 =	vperm.xlane v3, v2;
	v4 =	vadd.s32 v1, v4;
	_ =	sdelay $0x1  }
0xbe: {  	v3 =	vadd.s32 v1, v3;
	_ =	sdelay $0x2  }
0xbf: {  	[tilespmem:s12], [sflag:$0x2] =	stream.indirect_vreg.gather [hbm4b:s3+s2], $0x80, v4, vm0, $0xb8;
	[tilespmem:$0x10400] =	vst v63  }
0xc0: {  	s16 =	simm.s32 $0x1F0;
	s17 =	simm.s32 $0x0  }
0xc1: {  	[tilespmem:s13], [sflag:$0x2] =	stream.indirect_vreg.gather [hbm4b:s3+s2], $0x80, v3, vm0, $0xb8;
	[tilespmem:$0x10400] =	vst v63  }
.LBB2_2:
0xc2: {  	_ =	swait.ge [sflag:s14], $0x8000  }
0xc3: {  	p0 =	seq.s32 s17, $0x6000;
	[sflag:s14] =	ssyncset.done $0x0  }
.Ltmp2:
0xc4: {  	s18 =	sadd.s32 s17, s6;
	[sflag:s14] =	ssyncadd.s32 $0xFFFF8000;
	(pc) =	sbr.rel @p0 .LBB2_4-.Ltmp2, $4  }
0xc5: {  	[hbm4b:s18+s2] =	stream.linear.scatter [tilespmem:s8], [sflag:$0x3], $0x8000, $0x38;
	[tilespmem:$0x10400] =	vst v63  }
0xc6: {  	_ =	swait.ge [sflag:s7], $0x8000  }
0xc7: {  	[sflag:s7] =	ssyncset.done $0x0  }
0xc8: {  	[sflag:s7] =	ssyncadd.s32 $0xFFFF8000  }
0xc9: {  	v3 =	vld [tilespmem:s16+$0xFFFFFF10];
	_ =	sdelay $0x4  }
0xca: {  	v4 =	vshll.u32 v3, $0x1  }
0xcb: {  	v3 =	vand.u32 $0x7, v3;
	v4 =	vand.u32 $0xFFFFFFF0, v4  }
0xcc: {  	v3 =	vor.u32 v3, v4  }
0xcd: {  	v4 =	vperm.xlane v3, v0;
	_ =	sdelay $0x1  }
0xce: {  	v3 =	vperm.xlane v3, v2;
	v4 =	vadd.s32 v1, v4;
	_ =	sdelay $0x1  }
0xcf: {  	v3 =	vadd.s32 v1, v3;
	_ =	sdelay $0x2  }
0xd0: {  	[tilespmem:s8], [sflag:$0x1] =	stream.indirect_vreg.gather [hbm4b:s3+s2], $0x80, v4, vm0, $0xb8;
	[tilespmem:$0x10400] =	vst v63  }
0xd1: {  	s19 =	simm.s32 $0xC00  }
0xd2: {  	[tilespmem:s19], [sflag:$0x1] =	stream.indirect_vreg.gather [hbm4b:s3+s2], $0x80, v3, vm0, $0xb8;
	[tilespmem:$0x10400] =	vst v63  }
0xd3: {  	v3 =	vld [tilespmem:s16+$0xFFFFFF20];
	_ =	sdelay $0x4  }
0xd4: {  	v57 =	vshll.u32 v3, $0x1  }
0xd5: {  	v3 =	vand.u32 $0x7, v3;
	v4 =	vand.u32 $0xFFFFFFF0, v57  }
0xd6: {  	v3 =	vor.u32 v3, v4  }
0xd7: {  	v4 =	vperm.xlane v3, v0;
	_ =	sdelay $0x1  }
0xd8: {  	v3 =	vperm.xlane v3, v2;
	v4 =	vadd.s32 v1, v4;
	_ =	sdelay $0x1  }
0xd9: {  	v3 =	vadd.s32 v1, v3;
	_ =	sdelay $0x1  }
0xda: {  	s19 =	simm.s32 $0x1400  }
0xdb: {  	[tilespmem:s19], [sflag:$0x1] =	stream.indirect_vreg.gather [hbm4b:s3+s2], $0x80, v4, vm0, $0xb8;
	[tilespmem:$0x10400] =	vst v63  }
0xdc: {  	s19 =	simm.s32 $0x1C00  }
0xdd: {  	[tilespmem:s19], [sflag:$0x1] =	stream.indirect_vreg.gather [hbm4b:s3+s2], $0x80, v3, vm0, $0xb8;
	[tilespmem:$0x10400] =	vst v63  }
0xde: {  	v3 =	vld [tilespmem:s16+$0xFFFFFF30];
	_ =	sdelay $0x4  }
0xdf: {  	v58 =	vshll.u32 v3, $0x1  }
0xe0: {  	v3 =	vand.u32 $0x7, v3;
	v4 =	vand.u32 $0xFFFFFFF0, v58  }
0xe1: {  	v3 =	vor.u32 v3, v4  }
0xe2: {  	v4 =	vperm.xlane v3, v0;
	_ =	sdelay $0x1  }
0xe3: {  	v3 =	vperm.xlane v3, v2;
	v4 =	vadd.s32 v1, v4;
	_ =	sdelay $0x1  }
0xe4: {  	v3 =	vadd.s32 v1, v3;
	_ =	sdelay $0x1  }
0xe5: {  	s19 =	simm.s32 $0x2400  }
0xe6: {  	[tilespmem:s19], [sflag:$0x1] =	stream.indirect_vreg.gather [hbm4b:s3+s2], $0x80, v4, vm0, $0xb8;
	[tilespmem:$0x10400] =	vst v63  }
0xe7: {  	s19 =	simm.s32 $0x2C00  }
0xe8: {  	[tilespmem:s19], [sflag:$0x1] =	stream.indirect_vreg.gather [hbm4b:s3+s2], $0x80, v3, vm0, $0xb8;
	[tilespmem:$0x10400] =	vst v63  }
0xe9: {  	v3 =	vld [tilespmem:s16+$0xFFFFFF40];
	_ =	sdelay $0x4  }
0xea: {  	v59 =	vshll.u32 v3, $0x1  }
0xeb: {  	v3 =	vand.u32 $0x7, v3;
	v4 =	vand.u32 $0xFFFFFFF0, v59  }
0xec: {  	v3 =	vor.u32 v3, v4  }
0xed: {  	v4 =	vperm.xlane v3, v0;
	_ =	sdelay $0x1  }
0xee: {  	v3 =	vperm.xlane v3, v2;
	v4 =	vadd.s32 v1, v4;
	_ =	sdelay $0x1  }
0xef: {  	v3 =	vadd.s32 v1, v3;
	_ =	sdelay $0x1  }
0xf0: {  	s19 =	simm.s32 $0x3400  }
0xf1: {  	[tilespmem:s19], [sflag:$0x1] =	stream.indirect_vreg.gather [hbm4b:s3+s2], $0x80, v4, vm0, $0xb8;
	[tilespmem:$0x10400] =	vst v63  }
0xf2: {  	s19 =	simm.s32 $0x3C00  }
0xf3: {  	[tilespmem:s19], [sflag:$0x1] =	stream.indirect_vreg.gather [hbm4b:s3+s2], $0x80, v3, vm0, $0xb8;
	[tilespmem:$0x10400] =	vst v63  }
0xf4: {  	v3 =	vld [tilespmem:s16+$0xFFFFFF50];
	_ =	sdelay $0x4  }
0xf5: {  	v60 =	vshll.u32 v3, $0x1  }
0xf6: {  	v3 =	vand.u32 $0x7, v3;
	v4 =	vand.u32 $0xFFFFFFF0, v60  }
0xf7: {  	v3 =	vor.u32 v3, v4  }
0xf8: {  	v4 =	vperm.xlane v3, v0;
	_ =	sdelay $0x1  }
0xf9: {  	v3 =	vperm.xlane v3, v2;
	v4 =	vadd.s32 v1, v4;
	_ =	sdelay $0x1  }
0xfa: {  	v3 =	vadd.s32 v1, v3;
	_ =	sdelay $0x1  }
0xfb: {  	s19 =	simm.s32 $0x4400  }
0xfc: {  	[tilespmem:s19], [sflag:$0x1] =	stream.indirect_vreg.gather [hbm4b:s3+s2], $0x80, v4, vm0, $0xb8;
	[tilespmem:$0x10400] =	vst v63  }
0xfd: {  	s19 =	simm.s32 $0x4C00  }
0xfe: {  	[tilespmem:s19], [sflag:$0x1] =	stream.indirect_vreg.gather [hbm4b:s3+s2], $0x80, v3, vm0, $0xb8;
	[tilespmem:$0x10400] =	vst v63  }
0xff: {  	v3 =	vld [tilespmem:s16+$0xFFFFFF60];
	_ =	sdelay $0x4  }
0x100: {  	v61 =	vshll.u32 v3, $0x1  }
0x101: {  	v3 =	vand.u32 $0x7, v3;
	v4 =	vand.u32 $0xFFFFFFF0, v61  }
0x102: {  	v3 =	vor.u32 v3, v4  }
0x103: {  	v4 =	vperm.xlane v3, v0;
	_ =	sdelay $0x1  }
0x104: {  	v3 =	vperm.xlane v3, v2;
	v4 =	vadd.s32 v1, v4;
	_ =	sdelay $0x1  }
0x105: {  	v3 =	vadd.s32 v1, v3;
	_ =	sdelay $0x1  }
0x106: {  	s19 =	simm.s32 $0x5400  }
0x107: {  	[tilespmem:s19], [sflag:$0x1] =	stream.indirect_vreg.gather [hbm4b:s3+s2], $0x80, v4, vm0, $0xb8;
	[tilespmem:$0x10400] =	vst v63  }
0x108: {  	s19 =	simm.s32 $0x5C00  }
0x109: {  	[tilespmem:s19], [sflag:$0x1] =	stream.indirect_vreg.gather [hbm4b:s3+s2], $0x80, v3, vm0, $0xb8;
	[tilespmem:$0x10400] =	vst v63  }
0x10a: {  	v3 =	vld [tilespmem:s16+$0xFFFFFF70];
	_ =	sdelay $0x4  }
0x10b: {  	v62 =	vshll.u32 v3, $0x1  }
0x10c: {  	v3 =	vand.u32 $0x7, v3;
	v4 =	vand.u32 $0xFFFFFFF0, v62  }
0x10d: {  	v3 =	vor.u32 v3, v4  }
0x10e: {  	v4 =	vperm.xlane v3, v0;
	_ =	sdelay $0x1  }
0x10f: {  	v3 =	vperm.xlane v3, v2;
	v4 =	vadd.s32 v1, v4;
	_ =	sdelay $0x1  }
0x110: {  	v3 =	vadd.s32 v1, v3;
	_ =	sdelay $0x2  }
0x111: {  	[tilespmem:s20], [sflag:$0x1] =	stream.indirect_vreg.gather [hbm4b:s3+s2], $0x80, v4, vm0, $0xb8;
	[tilespmem:$0x10400] =	vst v63  }
0x112: {  	_ = 	snop  }
0x113: {  	[tilespmem:s21], [sflag:$0x1] =	stream.indirect_vreg.gather [hbm4b:s3+s2], $0x80, v3, vm0, $0xb8;
	[tilespmem:$0x10400] =	vst v63  }
0x114: {  	v3 =	vld [tilespmem:s16+$0xFFFFFF80];
	_ =	sdelay $0x4  }
0x115: {  	v63 =	vshll.u32 v3, $0x1  }
0x116: {  	v3 =	vand.u32 $0x7, v3;
	v4 =	vand.u32 $0xFFFFFFF0, v63  }
0x117: {  	v3 =	vor.u32 v3, v4  }
0x118: {  	v4 =	vperm.xlane v3, v0;
	_ =	sdelay $0x1  }
0x119: {  	v3 =	vperm.xlane v3, v2;
	v4 =	vadd.s32 v1, v4;
	_ =	sdelay $0x1  }
0x11a: {  	v3 =	vadd.s32 v1, v3;
	_ =	sdelay $0x2  }
0x11b: {  	[tilespmem:s22], [sflag:$0x1] =	stream.indirect_vreg.gather [hbm4b:s3+s2], $0x80, v4, vm0, $0xb8;
	[tilespmem:$0x10400] =	vst v63  }
0x11c: {  	_ = 	snop  }
0x11d: {  	[tilespmem:s23], [sflag:$0x1] =	stream.indirect_vreg.gather [hbm4b:s3+s2], $0x80, v3, vm0, $0xb8;
	[tilespmem:$0x10400] =	vst v63  }
.LBB2_4:
0x11e: {  	_ =	swait.ge [sflag:s15], $0x8000  }
0x11f: {  	[sflag:s15] =	ssyncset.done $0x0  }
.Ltmp3:
0x120: {  	s18 =	sadd.s32 $0x1000, s18;
	[sflag:s15] =	ssyncadd.s32 $0xFFFF8000;
	(pc) =	sbr.rel @p0 .LBB2_6-.Ltmp3, $4  }
0x121: {  	[hbm4b:s18+s2] =	stream.linear.scatter [tilespmem:s24], [sflag:$0x3], $0x8000, $0x38;
	[tilespmem:$0x10400] =	vst v63  }
0x122: {  	_ =	swait.ge [sflag:s7], $0x8000  }
0x123: {  	[sflag:s7] =	ssyncset.done $0x0  }
0x124: {  	[sflag:s7] =	ssyncadd.s32 $0xFFFF8000  }
0x125: {  	v3 =	vld [tilespmem:s16+$0xFFFFFF90];
	_ =	sdelay $0x4  }
0x126: {  	v4 =	vshll.u32 v3, $0x1  }
0x127: {  	v3 =	vand.u32 $0x7, v3;
	v4 =	vand.u32 $0xFFFFFFF0, v4  }
0x128: {  	v3 =	vor.u32 v3, v4  }
0x129: {  	v4 =	vperm.xlane v3, v0;
	_ =	sdelay $0x1  }
0x12a: {  	v3 =	vperm.xlane v3, v2;
	v4 =	vadd.s32 v1, v4;
	_ =	sdelay $0x1  }
0x12b: {  	v3 =	vadd.s32 v1, v3;
	_ =	sdelay $0x2  }
0x12c: {  	[tilespmem:s24], [sflag:$0x2] =	stream.indirect_vreg.gather [hbm4b:s3+s2], $0x80, v4, vm0, $0xb8;
	[tilespmem:$0x10400] =	vst v63  }
0x12d: {  	_ = 	snop  }
0x12e: {  	[tilespmem:s25], [sflag:$0x2] =	stream.indirect_vreg.gather [hbm4b:s3+s2], $0x80, v3, vm0, $0xb8;
	[tilespmem:$0x10400] =	vst v63  }
0x12f: {  	v3 =	vld [tilespmem:s16+$0xFFFFFFA0];
	_ =	sdelay $0x4  }
0x130: {  	v57 =	vshll.u32 v3, $0x1  }
0x131: {  	v3 =	vand.u32 $0x7, v3;
	v4 =	vand.u32 $0xFFFFFFF0, v57  }
0x132: {  	v3 =	vor.u32 v3, v4  }
0x133: {  	v4 =	vperm.xlane v3, v0;
	_ =	sdelay $0x1  }
0x134: {  	v3 =	vperm.xlane v3, v2;
	v4 =	vadd.s32 v1, v4;
	_ =	sdelay $0x1  }
0x135: {  	v3 =	vadd.s32 v1, v3;
	_ =	sdelay $0x2  }
0x136: {  	[tilespmem:s26], [sflag:$0x2] =	stream.indirect_vreg.gather [hbm4b:s3+s2], $0x80, v4, vm0, $0xb8;
	[tilespmem:$0x10400] =	vst v63  }
0x137: {  	_ = 	snop  }
0x138: {  	[tilespmem:s28], [sflag:$0x2] =	stream.indirect_vreg.gather [hbm4b:s3+s2], $0x80, v3, vm0, $0xb8;
	[tilespmem:$0x10400] =	vst v63  }
0x139: {  	v3 =	vld [tilespmem:s16+$0xFFFFFFB0];
	_ =	sdelay $0x4  }
0x13a: {  	v58 =	vshll.u32 v3, $0x1  }
0x13b: {  	v3 =	vand.u32 $0x7, v3;
	v4 =	vand.u32 $0xFFFFFFF0, v58  }
0x13c: {  	v3 =	vor.u32 v3, v4  }
0x13d: {  	v4 =	vperm.xlane v3, v0;
	_ =	sdelay $0x1  }
0x13e: {  	v3 =	vperm.xlane v3, v2;
	v4 =	vadd.s32 v1, v4;
	_ =	sdelay $0x1  }
0x13f: {  	v3 =	vadd.s32 v1, v3;
	_ =	sdelay $0x2  }
0x140: {  	[tilespmem:s29], [sflag:$0x2] =	stream.indirect_vreg.gather [hbm4b:s3+s2], $0x80, v4, vm0, $0xb8;
	[tilespmem:$0x10400] =	vst v63  }
0x141: {  	_ = 	snop  }
0x142: {  	[tilespmem:s30], [sflag:$0x2] =	stream.indirect_vreg.gather [hbm4b:s3+s2], $0x80, v3, vm0, $0xb8;
	[tilespmem:$0x10400] =	vst v63  }
0x143: {  	v3 =	vld [tilespmem:s16+$0xFFFFFFC0];
	_ =	sdelay $0x4  }
0x144: {  	v59 =	vshll.u32 v3, $0x1  }
0x145: {  	v3 =	vand.u32 $0x7, v3;
	v4 =	vand.u32 $0xFFFFFFF0, v59  }
0x146: {  	v3 =	vor.u32 v3, v4  }
0x147: {  	v4 =	vperm.xlane v3, v0;
	_ =	sdelay $0x1  }
0x148: {  	v3 =	vperm.xlane v3, v2;
	v4 =	vadd.s32 v1, v4;
	_ =	sdelay $0x1  }
0x149: {  	v3 =	vadd.s32 v1, v3;
	_ =	sdelay $0x2  }
0x14a: {  	[tilespmem:s31], [sflag:$0x2] =	stream.indirect_vreg.gather [hbm4b:s3+s2], $0x80, v4, vm0, $0xb8;
	[tilespmem:$0x10400] =	vst v63  }
0x14b: {  	_ = 	snop  }
0x14c: {  	[tilespmem:s0], [sflag:$0x2] =	stream.indirect_vreg.gather [hbm4b:s3+s2], $0x80, v3, vm0, $0xb8;
	[tilespmem:$0x10400] =	vst v63  }
0x14d: {  	v3 =	vld [tilespmem:s16+$0xFFFFFFD0];
	_ =	sdelay $0x4  }
0x14e: {  	v60 =	vshll.u32 v3, $0x1  }
0x14f: {  	v3 =	vand.u32 $0x7, v3;
	v4 =	vand.u32 $0xFFFFFFF0, v60  }
0x150: {  	v3 =	vor.u32 v3, v4  }
0x151: {  	v4 =	vperm.xlane v3, v0;
	_ =	sdelay $0x1  }
0x152: {  	v3 =	vperm.xlane v3, v2;
	v4 =	vadd.s32 v1, v4;
	_ =	sdelay $0x1  }
0x153: {  	v3 =	vadd.s32 v1, v3;
	_ =	sdelay $0x2  }
0x154: {  	[tilespmem:s1], [sflag:$0x2] =	stream.indirect_vreg.gather [hbm4b:s3+s2], $0x80, v4, vm0, $0xb8;
	[tilespmem:$0x10400] =	vst v63  }
0x155: {  	_ = 	snop  }
0x156: {  	[tilespmem:s4], [sflag:$0x2] =	stream.indirect_vreg.gather [hbm4b:s3+s2], $0x80, v3, vm0, $0xb8;
	[tilespmem:$0x10400] =	vst v63  }
0x157: {  	v3 =	vld [tilespmem:s16+$0xFFFFFFE0];
	_ =	sdelay $0x4  }
0x158: {  	v61 =	vshll.u32 v3, $0x1  }
0x159: {  	v3 =	vand.u32 $0x7, v3;
	v4 =	vand.u32 $0xFFFFFFF0, v61  }
0x15a: {  	v3 =	vor.u32 v3, v4  }
0x15b: {  	v4 =	vperm.xlane v3, v0;
	_ =	sdelay $0x1  }
0x15c: {  	v3 =	vperm.xlane v3, v2;
	v4 =	vadd.s32 v1, v4;
	_ =	sdelay $0x1  }
0x15d: {  	v3 =	vadd.s32 v1, v3;
	_ =	sdelay $0x2  }
0x15e: {  	[tilespmem:s5], [sflag:$0x2] =	stream.indirect_vreg.gather [hbm4b:s3+s2], $0x80, v4, vm0, $0xb8;
	[tilespmem:$0x10400] =	vst v63  }
0x15f: {  	_ = 	snop  }
0x160: {  	[tilespmem:s9], [sflag:$0x2] =	stream.indirect_vreg.gather [hbm4b:s3+s2], $0x80, v3, vm0, $0xb8;
	[tilespmem:$0x10400] =	vst v63  }
0x161: {  	v3 =	vld [tilespmem:s16+$0xFFFFFFF0];
	_ =	sdelay $0x4  }
0x162: {  	v62 =	vshll.u32 v3, $0x1  }
0x163: {  	v3 =	vand.u32 $0x7, v3;
	v4 =	vand.u32 $0xFFFFFFF0, v62  }
0x164: {  	v3 =	vor.u32 v3, v4  }
0x165: {  	v4 =	vperm.xlane v3, v0;
	_ =	sdelay $0x1  }
0x166: {  	v3 =	vperm.xlane v3, v2;
	v4 =	vadd.s32 v1, v4;
	_ =	sdelay $0x1  }
0x167: {  	v3 =	vadd.s32 v1, v3;
	_ =	sdelay $0x2  }
0x168: {  	[tilespmem:s10], [sflag:$0x2] =	stream.indirect_vreg.gather [hbm4b:s3+s2], $0x80, v4, vm0, $0xb8;
	[tilespmem:$0x10400] =	vst v63  }
0x169: {  	_ = 	snop  }
0x16a: {  	[tilespmem:s11], [sflag:$0x2] =	stream.indirect_vreg.gather [hbm4b:s3+s2], $0x80, v3, vm0, $0xb8;
	[tilespmem:$0x10400] =	vst v63  }
0x16b: {  	v3 =	vld [tilespmem:s16+$0x0];
	_ =	sdelay $0x4  }
0x16c: {  	v63 =	vshll.u32 v3, $0x1  }
0x16d: {  	v3 =	vand.u32 $0x7, v3;
	v4 =	vand.u32 $0xFFFFFFF0, v63  }
0x16e: {  	v3 =	vor.u32 v3, v4  }
0x16f: {  	v4 =	vperm.xlane v3, v0;
	_ =	sdelay $0x1  }
0x170: {  	v3 =	vperm.xlane v3, v2;
	v4 =	vadd.s32 v1, v4;
	_ =	sdelay $0x1  }
0x171: {  	v3 =	vadd.s32 v1, v3  }
.Ltmp4:
0x172: {  	_ = 	snop;
	(pc) =	sbr.rel .LBB2_2-.Ltmp4, $4  }
0x173: {  	_ = 	snop  }
0x174: {  	[tilespmem:s12], [sflag:$0x2] =	stream.indirect_vreg.gather [hbm4b:s3+s2], $0x80, v4, vm0, $0xb8;
	[tilespmem:$0x10400] =	vst v63  }
0x175: {  	s17 =	sadd.s32 $0x2000, s17;
	s16 =	sadd.s32 $0x100, s16  }
0x176: {  	[tilespmem:s13], [sflag:$0x2] =	stream.indirect_vreg.gather [hbm4b:s3+s2], $0x80, v3, vm0, $0xb8;
	[tilespmem:$0x10400] =	vst v63  }
.LBB2_7:
0x177: {  	_ =	sfence.sel $0x180000  }
0x178: {  	[bflag:$0x0] =	sbarrier.arrive $0xFFFF  }
0x179: {  	_ =	strace $0x90000050  }
0x17a: {  	s0 =	stileid.u32;
	[bflag:$0x2] =	sbarrier.arrive $0xFFFF  }
0x17b: {  	p0 =	sne.s32 s0, $0x0;
	s0 =	rddreg [dreg:$0x1]  }
0x17c: {  	s0 =	sadd.s32 @!p0 $0x100000, s0  }
0x17d: {  	[sflag:s0] =	ssyncadd.tile.s32 @!p0 $0x1;
	_ =	shalt  }
.Lfunc_end2:
_tile_overlayer_lowered:
.L_overlay_start_2:
0x17e: {  	(tag) =	ssettag $0x2  }
0x17f: {  	s0 =	rddreg [dreg:$0x0];
	s2 =	stileid.u32  }
0x180: {  	s1 =	rddreg [dreg:$0x1];
	p0 =	sne.s32 s2, $0x0  }
0x181: {  	s3 =	rddreg [dreg:$0x2];
	[bflag:$0x3] =	sbarrier.arrive $0xFFFF;
	s2 =	simm.s32 @!p0 $0x1C03  }
0x182: {  	[timem:s3], [sflag:s2] =	dma.local @!p0 [hbm:s0], s1  }
0x183: {  	s0 =	simm.s32 @!p0 $0x3  }
0x184: {  	_ =	swait.ge @!p0 [sflag:s0], s1  }
0x185: {  	s1 =	ssub.s32 @!p0 $0x0, s1;
	[sflag:s0] =	ssyncset.done @!p0 $0x0  }
0x186: {  	[sflag:s0] =	ssyncadd.s32 @!p0 s1  }
0x187: {  	[bflag:$0x3] =	sbarrier.arrive $0xFFFF  }
0x188: {  	_ =	shalt  }

// kernel: sparse-core-data-format-call.1.cloned.1.call-start
scs
called_computation.1_lowered:
.L_overlay_start_0:
0x0: {  	s1 =	sld [smem:$0x3FD9]  }
0x1: {  	s2 =	sld [smem:$0x3FFE];
	_ =	sdelay $0x1  }
0x2: {  	s3 =	srdreg.scid  }
0x3: {  	s0 =	sand.u32 $0x1, s3  }
0x4: {  	s17 =	sshll.u32 s0, $0xA;
	s1 =	sadd.s32 s2, s1  }
0x5: {  	s1 =	sadd.s32 s1, s17  }
0x6: {  	[smem:$0x3FC0] =	sst s1  }
0x7: {  	_ = 	snop  }
0x8: {  	(tm) =	ssettm $0x1  }
0x9: {  	s18 =	sld [smem:$0x3FFB];
	_ =	sdelay $0x3  }
0xa: {  	_ =	strace s18  }
0xb: {  	s1 =	sld [smem:$0x3FFC];
	_ =	sdelay $0x3  }
0xc: {  	_ =	strace s1  }
0xd: {  	s1 =	sld [smem:$0x3FFD];
	_ =	sdelay $0x3  }
0xe: {  	_ =	strace s1  }
0xf: {  	_ =	strace $0x8FFFFFFF  }
0x10: {  	s19 =	sld [smem:$0x3FDB];
	_ =	sdelay $0x1  }
0x11: {  	s20 =	simm.s32 $_scs_section_size  }
0x12: {  	s4 =	simm.s32 $_size__tile_overlayer_lowered;
	s5 =	simm.s32 $_tile_overlayer_lowered  }
0x13: {  	s23 =	simm.s32 $0x1BFF;
	s22 =	sshll.u32 s5, $0x1;
	s1 =	sadd.s32 s20, s19  }
0x14: {  	s6 =	simm.s32 $0x0;
	s21 =	sshll.u32 s4, $0x1;
	s4 =	sadd.s32 s22, s1  }
0x15: {  	[timem:s6], [sflag:s23] =	dma.local [hbm:s4], s21  }
0x16: {  	_ =	swait.ge [sflag:s23], s21  }
0x17: {  	s2 =	ssub.s32 $0x0, s21;
	[sflag:s23] =	ssyncset.done $0x0  }
0x18: {  	[sflag:s23] =	ssyncadd.s32 s2;
	_ =	sdelay $0x1  }
0x19: {  	s24 =	simm.s32 $0x1B8B  }
0x1a: {  	_ =	swait.ge [sflag:s24], $0x1  }
0x1b: {  	[sflag:s24] =	ssyncset.done $0x0  }
0x1c: {  	s26 =	simm.s32 $0x1B8E;
	s25 =	sld [smem:$0x3FFE];
	[sflag:s24] =	ssyncadd.s32 $0xFFFFFFFF  }
0x1d: {  	s27 =	simm.s32 $execute0_lowered;
	[smem:$0x3FD2] =	sst s26  }
0x1e: {  	s4 =	sshll.u32 s27, $0x1;
	_ =	strace $0x80000046;
	[dreg:$0x1] =	wrdreg $0xFFFFFFFF  }
0x1f: {  	s28 =	simm.s32 $_size_execute0_lowered;
	s1 =	sadd.s32 s1, s4;
	[dreg:$0x0] =	wrdreg $0x0  }
0x20: {  	s4 =	sshll.u32 s28, $0x1;
	[dreg:$0x2] =	wrdreg s1  }
0x21: {  	[dreg:$0x3] =	wrdreg s4  }
0x22: {  	[dreg:$0x4] =	wrdreg $0xC0  }
0x23: {  	_ =	task [dreg:s6], $0x5FFFF  }
0x24: {  	[dreg:$0x1] =	wrdreg $0xFFFFFFFF  }
0x25: {  	[dreg:$0x0] =	wrdreg $0x60  }
0x26: {  	[dreg:$0x2] =	wrdreg s25  }
0x27: {  	[dreg:$0x3] =	wrdreg $0x9  }
0x28: {  	_ =	task.clear_ibuf [dreg:s6], $0x4FFFF;
	_ =	strace $0x90000046  }
0x29: {  	s29 =	simm.s32 $0x9;
	_ =	strace $0x80000048  }
0x2a: {  	_ =	swait.ge [sflag:s29], $0x1  }
0x2b: {  	[sflag:s29] =	ssyncadd.s32 $0xFFFFFFFF  }
0x2c: {  	_ =	strace $0x90000048  }
0x2d: {  	_ =	sfence  }
0x2e: {  	s30 =	sld [smem:$0x0];
	_ =	sdelay $0x2  }
0x2f: {  	s31 =	sshll.u32 s3, $0xD;
	s3 =	sshrl.u32 s3, $0x2  }
0x30: {  	s2 =	sand.u32 $0x4000, s31;
	s1 =	sadd.s32 s3, s30  }
0x31: {  	s0 =	sor.u32 s2, s0;
	s1 =	sshll.u32 s1, $0x11  }
0x32: {  	s0 =	sor.u32 s1, s0  }
0x33: {  	s0 =	sadd.s32 $0x8F2B, s0  }
0x34: {  	[sflag:s0] =	ssyncadd.remote.s32 $0x1  }
0x35: {  	_ =	sfence.sel $0xFFFF  }
0x36: {  	[dreg:$0x0] =	wrdreg $0xFFFFFFFF;
	(pc) =	sbr.abs _section_cstart, $3  }
0x37: {  	[dreg:$0x1] =	wrdreg $0xFFFFFFFF  }
0x38: {  	_ =	task.clear_ibuf [dreg:s6], $0x2FFFF;
	_ =	strace $0x9FFFFFFF  }
0x39: {  	(tm) =	ssettm $0x7FFFFFFF  }
tec
execute0_lowered:
.L_overlay_start_1:
0x0: {  	(tag) =	ssettag $0x1  }
0x1: {  	s0 =	srdreg.scid  }
0x2: {  	s7 =	rddreg [dreg:$0x0];
	s1 =	sshll.u32 s0, $0x4  }
0x3: {  	s5 =	simm.s32 $0x1;
	s0 =	stileid.u32;
	s1 =	sand.u32 $0x10, s1  }
0x4: {  	s31 =	simm.s32 $0x2;
	s14 =	simm.s32 $0x0;
	s8 =	sor.u32 s0, s1  }
0x5: {  	s13 =	simm.s32 $0x0;
	s12 =	simm.s32 $0x0;
	s2 =	sshll.u32 s8, $0x4  }
0x6: {  	s3 =	sadd.s32 $0x2200, s7;
	s4 =	sshll.u32 s0, $0x7;
	s2 =	sand.u32 $0x180, s2  }
0x7: {  	s7 =	sadd.s32 $0x30F600, s7;
	s4 =	sand.u32 $0x380, s4;
	s6 =	ssub.s32 $0x200, s2  }
0x8: {  	s1 =	rddreg [dreg:$0x1];
	s10 =	ssub.s32 $0xC300, s4;
	s9 =	sand.u32 $0x180, s6  }
0x9: {  	s10 =	sshrl.u32 s10, $0xA;
	p0 =	sne.s32 s9, $0x0;
	s9 =	simm.s32 $0x1  }
.Ltmp0:
0xa: {  	s6 =	sshrl.u32 s6, $0x9;
	s9 =	simm.s32 @!p0 $0x0;
	(pc) =	sbr.rel .LBB1_1-.Ltmp0, $4  }
0xb: {  	_ =	strace $0x80000047;
	s10 =	sadd.s32 $0x1, s10;
	s6 =	sadd.s32 s9, s6  }
0xc: {  	[sflag:s5] =	ssyncpa.u1 $0x0;
	s8 =	sshll.u32 s8, $0x7;
	s6 =	smul.u32 s10, s6  }
0xd: {  	s11 =	smov.u32 s4;
	[sflag:s31] =	ssyncpa.u1 $0x0;
	s8 =	sand.u32 $0xC00, s8  }
0xe: {  	p0 =	por $0x0, $0x0;
	s10 =	simm.s32 $0x61C00;
	s9 =	sadd.s32 $0x1, s6  }
.LBB1_4:
0xf: {  	s14 =	sshrl.u32 s14, $0x3  }
0x10: {  	s20 =	sshll.u32 s13, $0x3;
	s14 =	smul.u32 $0x61C00, s14  }
0x11: {  	v5 =	vld [tilespmem:s18+$0xFFFFFFD0];
	[tilespmem:s17+$0x2040 ss:$0x81] =	vst.msk $0xffff, v4;
	s20 =	sand.u32 $0xFFFFFC00, s20  }
0x12: {  	v58 =	vld [tilespmem:s18+$0xFFFFFFE0];
	[tilespmem:s17+$0x2850 ss:$0x81] =	vst.msk $0xffff, v3;
	s30 =	sand.u32 $0x7F, s13;
	s14 =	sadd.s32 s20, s14  }
0x13: {  	s19 =	sshra.s32 s19, $0x2;
	v59 =	vld [tilespmem:s18+$0xFFFFFFF0];
	[tilespmem:s17+$0x3060 ss:$0x81] =	vst.msk $0xffff, v2;
	s13 =	sor.u32 s30, s14  }
0x14: {  	v60 =	vld [tilespmem:s18+$0x0];
	[tilespmem:s17+$0x0 ss:$0x81] =	vst.msk $0xffff, v0;
	s16 =	sadd.s32 s19, s16;
	s31 =	smulhi.u32 $0xA79C7B17, s13  }
0x15: {  	v61 =	vld [tilespmem:s18+$0x10];
	[tilespmem:s16+$0x3870 ss:$0x81] =	vst.msk $0xffff, v1  }
0x16: {  	v62 =	vld [tilespmem:s18+$0x20];
	s14 =	smulhi.u32 $0xA79C7B17, s14;
	[tilespmem:s16+$0x810 ss:$0x81] =	vst.msk $0xffff, v5;
	s17 =	sshrl.u32 s31, $0xF  }
0x17: {  	v63 =	vld [tilespmem:s18+$0xFFFFFFC0];
	[tilespmem:s16+$0x1020 ss:$0x81] =	vst.msk $0xffff, v58;
	s17 =	smul.u32 $0xC380, s17  }
0x18: {  	[tilespmem:s16+$0x1830 ss:$0x81] =	vst.msk $0xffff, v59;
	s14 =	sshrl.u32 s14, $0xF  }
0x19: {  	[tilespmem:s16+$0x2040 ss:$0x81] =	vst.msk $0xffff, v60;
	s14 =	sand.u32 $0x1FF, s14;
	s13 =	ssub.s32 s13, s17  }
0x1a: {  	[tilespmem:s16+$0x2850 ss:$0x81] =	vst.msk $0xffff, v61;
	s14 =	smul.u32 $0x1870, s14;
	s17 =	sshrl.u32 s13, $0x3;
	s13 =	sand.u32 $0x7, s13  }
0x1b: {  	[tilespmem:s16+$0x3060 ss:$0x81] =	vst.msk $0xffff, v62;
	s17 =	sadd.s32 s7, s17;
	s13 =	sshll.u32 s13, $0x12  }
0x1c: {  	[tilespmem:s16+$0x0 ss:$0x81] =	vst.msk $0xffff, v63;
	s14 =	sadd.s32 s14, s17;
	s13 =	sor.u32 $0x400, s13  }
0x1d: {  	[hbm4b:s14+s13] =	stream.strided.scatter [tilespmem:s15], [sflag:$0x2], $0x4000, s10, s13, $0x20;
	[tilespmem:$0x10100] =	vst v63  }
.LBB1_5:
0x1e: {  	s15 =	sadd.s32 $0x400, s11  }
0x1f: {  	p2 =	sgt.s32 s15, $0xC34F  }
0x20: {  	s15 =	smov.u32 @p2 s4;
	p2 =	sne.s32 s12, s9  }
.Ltmp1:
0x21: {  	p1 =	slt.u32 s12, $0x2;
	(pc) =	sbr.rel @!p2 .LBB1_6-.Ltmp1, $4  }
0x22: {  	s14 =	simm.s32 @!p1 $0x2  }
0x23: {  	s16 =	sadd.s32 $0x1, s12;
	s13 =	smov.u32 s11;
	_ =	swait.ge @!p1 [sflag:s14], $0x4000  }
0x24: {  	p0 =	por !p0, !p0;
	s12 =	smov.u32 s16;
	[sflag:s14] =	ssyncset.done @!p1 $0x0  }
0x25: {  	s11 =	smov.u32 s15;
	[sflag:s14] =	ssyncadd.s32 @!p1 $0xFFFFC000;
	s14 =	smov.u32 s2  }
.LBB1_1:
0x26: {  	p1 =	sge.u32 s12, s6  }
0x27: {  	s15 =	sshll.u32 @!p1 s11, $0x9  }
0x28: {  	s16 =	sshll.u32 @!p1 s11, $0x7;
	s15 =	sand.u32 @!p1 $0xFFFFF000, s15  }
0x29: {  	s16 =	sand.u32 @!p1 $0x200, s16;
	s15 =	sor.u32 @!p1 s8, s15  }
0x2a: {  	s15 =	sor.u32 @!p1 s16, s15  }
0x2b: {  	s17 =	smov.u32 s11;
	p2 =	sgt.s32 @!p1 s11, $0xC2D0;
	s15 =	sshrl.u32 @!p1 s15, $0x9  }
0x2c: {  	s18 =	sshra.s32 @!p1 s11, $0x1F;
	p2 =	por !p2, p1;
	s16 =	smulhi.u32 @!p1 $0xA7C5AD, s15  }
0x2d: {  	s31 =	sadd.s32 $0xFFFFFFFF, s12;
	s18 =	sand.u32 @!p1 s18, s11;
	s17 =	simm.s32 @p2 $0xC2D0  }
0x2e: {  	s19 =	sxor.u32 @!p1 $0xFFFFFFFF, s12;
	s17 =	ssub.s32 @!p1 s17, s18;
	s16 =	sshrl.u32 @!p1 s16, $0x7  }
0x2f: {  	s18 =	sshll.u32 @!p1 s19, $0xE;
	s17 =	sadd.s32 @!p1 $0xFFFF3D30, s17;
	s16 =	smul.u32 @!p1 $0xC350, s16  }
0x30: {  	s19 =	simm.s32 @!p1 $0x1000;
	s18 =	sand.u32 @!p1 $0x4000, s18;
	p2 =	sgt.s32 @!p1 s17, $0x7F  }
0x31: {  	s15 =	ssub.s32 @!p1 s15, s16;
	s16 =	sshll.u32 @!p1 s17, $0x7;
	s17 =	sshll.u32 @!p1 s11, $0x4  }
0x32: {  	p2 =	por !p2, p1;
	s16 =	ssub.s32 @!p1 $0x4000, s16;
	s17 =	sand.u32 @!p1 $0x30, s17  }
0x33: {  	s15 =	sshll.u32 @!p1 s15, $0x6;
	s16 =	sand.u32 @!p1 $0x3FFFFF80, s16;
	s17 =	sadd.s32 @!p1 s3, s17  }
0x34: {  	s16 =	simm.s32 @!p2 $0x0;
	s15 =	sadd.s32 @!p1 s15, s17;
	s17 =	simm.s32 @!p1 $0x400  }
0x35: {  	[tilespmem:s18], [sflag:$0x1] =	stream.strided.gather @!p1 [hbm4b:s15+s17], s16, s19, s17, $0x38;
	[tilespmem:$0x10100] =	vst v63  }
0x36: {  	p1 =	sge.u32 s31, s6  }
.Ltmp2:
0x37: {  	_ = 	snop;
	(pc) =	sbr.rel @p1 .LBB1_5-.Ltmp2, $1  }
0x38: {  	_ =	sdelay $0x3  }
0x39: {  	p1 =	sgt.s32 s13, $0xC2D0;
	s15 =	smov.u32 s13;
	s16 =	sshra.s32 s13, $0x1F  }
0x3a: {  	s15 =	simm.s32 @!p1 $0xC2D0;
	s16 =	sand.u32 s16, s13  }
0x3b: {  	s15 =	ssub.s32 s15, s16  }
0x3c: {  	s15 =	sadd.s32 $0xFFFF3D30, s15  }
0x3d: {  	s29 =	sshll.u32 s15, $0x7  }
0x3e: {  	s16 =	ssub.s32 $0x4000, s29  }
0x3f: {  	p1 =	sgt.s32 s15, $0x7F;
	s15 =	sand.u32 $0x3FFFFF80, s16  }
0x40: {  	s16 =	simm.s32 $0x1;
	s15 =	simm.s32 @p1 $0x0  }
0x41: {  	s16 =	simm.s32 @!p0 $0x0;
	_ =	swait.ge [sflag:s5], s15  }
0x42: {  	s17 =	sshll.u32 s16, $0xE;
	s15 =	ssub.s32 $0x0, s15;
	[sflag:s5] =	ssyncset.done $0x0  }
0x43: {  	s18 =	sor.u32 $0x40, s17;
	[sflag:s5] =	ssyncadd.s32 s15  }
0x44: {  	s30 =	smul.u32 $0x10200, s16;
	v0 =	vld [tilespmem:s18+$0x30]  }
0x45: {  	v1 =	vld [tilespmem:s18+$0xFFFFFFD0]  }
0x46: {  	s15 =	sshrl.u32 s30, $0x2;
	v5 =	vld [tilespmem:s18+$0xFFFFFFE0]  }
0x47: {  	s16 =	sor.u32 $0x8000, s15;
	v6 =	vld [tilespmem:s18+$0xFFFFFFF0]  }
0x48: {  	s31 =	sand.u32 $0x1, s12;
	v4 =	vld [tilespmem:s18+$0x0];
	s17 =	sadd.s32 $0x0, s16  }
0x49: {  	s15 =	smul.u32 $0x10200, s31;
	v3 =	vld [tilespmem:s18+$0x10];
	[tilespmem:s17+$0x3870 ss:$0x81] =	vst.msk $0xffff, v0  }
0x4a: {  	v2 =	vld [tilespmem:s18+$0x20];
	[tilespmem:s17+$0x810 ss:$0x81] =	vst.msk $0xffff, v1  }
0x4b: {  	s15 =	sshrl.u32 s15, $0x2;
	v0 =	vld [tilespmem:s18+$0xFFFFFFC0];
	[tilespmem:s17+$0x1020 ss:$0x81] =	vst.msk $0xffff, v5;
	s18 =	sadd.s32 $0x80, s18  }
0x4c: {  	s19 =	simm.s32 $0x4;
	s20 =	simm.s32 $0x8;
	s15 =	sor.u32 $0x8000, s15;
	[tilespmem:s17+$0x1830 ss:$0x81] =	vst.msk $0xffff, v6;
	v1 =	vld [tilespmem:s18+$0x30]  }
.LBB1_3:
0x4d: {  	p1 =	sne.s32 s20, $0x1FC;
	v5 =	vld [tilespmem:s18+$0xFFFFFFD0];
	[tilespmem:s17+$0x2040 ss:$0x81] =	vst.msk $0xffff, v4  }
0x4e: {  	v6 =	vld [tilespmem:s18+$0xFFFFFFE0];
	[tilespmem:s17+$0x2850 ss:$0x81] =	vst.msk $0xffff, v3  }
0x4f: {  	s21 =	sshra.s32 s19, $0x2;
	s19 =	smov.u32 s20;
	v7 =	vld [tilespmem:s18+$0xFFFFFFF0];
	[tilespmem:s17+$0x3060 ss:$0x81] =	vst.msk $0xffff, v2  }
.Ltmp3:
0x50: {  	v4 =	vld [tilespmem:s18+$0x0];
	[tilespmem:s17+$0x0 ss:$0x81] =	vst.msk $0xffff, v0;
	s17 =	sadd.s32 s21, s16;
	(pc) =	sbr.rel @p1 .LBB1_3-.Ltmp3, $4  }
0x51: {  	v3 =	vld [tilespmem:s18+$0x10];
	[tilespmem:s17+$0x3870 ss:$0x81] =	vst.msk $0xffff, v1  }
0x52: {  	[tilespmem:s17+$0x810 ss:$0x81] =	vst.msk $0xffff, v5;
	v2 =	vld [tilespmem:s18+$0x20]  }
0x53: {  	v0 =	vld [tilespmem:s18+$0xFFFFFFC0];
	[tilespmem:s17+$0x1020 ss:$0x81] =	vst.msk $0xffff, v6;
	s18 =	sadd.s32 $0x80, s18  }
0x54: {  	s20 =	sadd.s32 $0x4, s20;
	v1 =	vld [tilespmem:s18+$0x30];
	[tilespmem:s17+$0x1830 ss:$0x81] =	vst.msk $0xffff, v7  }
.Ltmp4:
0x55: {  	_ = 	snop;
	(pc) =	sbr.rel .LBB1_4-.Ltmp4, $1  }
0x56: {  	_ =	sdelay $0x3  }
.LBB1_6:
0x57: {  	_ =	sfence.sel $0x180000  }
0x58: {  	s2 =	simm.s32 $0x1;
	[bflag:$0x0] =	sbarrier.arrive $0xFFFF  }
0x59: {  	s31 =	simm.s32 $0x2;
	[sflag:s2] =	ssyncpa.u1 $0x1  }
0x5a: {  	[sflag:s31] =	ssyncpa.u1 $0x1  }
0x5b: {  	p0 =	sne.s32 s0, $0x0;
	_ =	strace $0x90000047  }
0x5c: {  	s0 =	sadd.s32 @!p0 $0x100000, s1;
	[bflag:$0x2] =	sbarrier.arrive $0xFFFF  }
0x5d: {  	[sflag:s0] =	ssyncadd.tile.s32 @!p0 $0x1;
	_ =	shalt  }
.Lfunc_end1:
_tile_overlayer_lowered:
.L_overlay_start_2:
0x5e: {  	(tag) =	ssettag $0x2  }
0x5f: {  	s0 =	rddreg [dreg:$0x0];
	s2 =	stileid.u32  }
0x60: {  	s1 =	rddreg [dreg:$0x1];
	p0 =	sne.s32 s2, $0x0  }
0x61: {  	s3 =	rddreg [dreg:$0x2];
	[bflag:$0x3] =	sbarrier.arrive $0xFFFF;
	s2 =	simm.s32 @!p0 $0x1C01  }
0x62: {  	[timem:s3], [sflag:s2] =	dma.local @!p0 [hbm:s0], s1  }
0x63: {  	s0 =	simm.s32 @!p0 $0x1  }
0x64: {  	_ =	swait.ge @!p0 [sflag:s0], s1  }
0x65: {  	s1 =	ssub.s32 @!p0 $0x0, s1;
	[sflag:s0] =	ssyncset.done @!p0 $0x0  }
0x66: {  	[sflag:s0] =	ssyncadd.s32 @!p0 s1  }
0x67: {  	[bflag:$0x3] =	sbarrier.arrive $0xFFFF  }
0x68: {  	_ =	shalt  }

// kernel: sparse-core-data-format-call.cloned.1.call-start
scs
called_computation_lowered:
.L_overlay_start_0:
0x0: {  	s1 =	sld [smem:$0x3FD9]  }
0x1: {  	s2 =	sld [smem:$0x3FFE];
	_ =	sdelay $0x1  }
0x2: {  	s3 =	srdreg.scid  }
0x3: {  	s0 =	sand.u32 $0x1, s3  }
0x4: {  	s17 =	sshll.u32 s0, $0xA;
	s1 =	sadd.s32 s2, s1  }
0x5: {  	s1 =	sadd.s32 s1, s17  }
0x6: {  	[smem:$0x3FC0] =	sst s1  }
0x7: {  	_ = 	snop  }
0x8: {  	(tm) =	ssettm $0x1  }
0x9: {  	s18 =	sld [smem:$0x3FFB];
	_ =	sdelay $0x3  }
0xa: {  	_ =	strace s18  }
0xb: {  	s1 =	sld [smem:$0x3FFC];
	_ =	sdelay $0x3  }
0xc: {  	_ =	strace s1  }
0xd: {  	s1 =	sld [smem:$0x3FFD];
	_ =	sdelay $0x3  }
0xe: {  	_ =	strace s1  }
0xf: {  	_ =	strace $0x8FFFFFFF  }
0x10: {  	s19 =	sld [smem:$0x3FDB];
	_ =	sdelay $0x1  }
0x11: {  	s20 =	simm.s32 $_scs_section_size  }
0x12: {  	s4 =	simm.s32 $_size__tile_overlayer_lowered;
	s5 =	simm.s32 $_tile_overlayer_lowered  }
0x13: {  	s23 =	simm.s32 $0x1BFF;
	s22 =	sshll.u32 s5, $0x1;
	s1 =	sadd.s32 s20, s19  }
0x14: {  	s6 =	simm.s32 $0x0;
	s21 =	sshll.u32 s4, $0x1;
	s4 =	sadd.s32 s22, s1  }
0x15: {  	[timem:s6], [sflag:s23] =	dma.local [hbm:s4], s21  }
0x16: {  	_ =	swait.ge [sflag:s23], s21  }
0x17: {  	s2 =	ssub.s32 $0x0, s21;
	[sflag:s23] =	ssyncset.done $0x0  }
0x18: {  	[sflag:s23] =	ssyncadd.s32 s2;
	_ =	sdelay $0x1  }
0x19: {  	s24 =	simm.s32 $0x1B8B  }
0x1a: {  	_ =	swait.ge [sflag:s24], $0x1  }
0x1b: {  	[sflag:s24] =	ssyncset.done $0x0  }
0x1c: {  	s26 =	simm.s32 $0x1B8E;
	s25 =	sld [smem:$0x3FFE];
	[sflag:s24] =	ssyncadd.s32 $0xFFFFFFFF  }
0x1d: {  	s27 =	simm.s32 $execute0_lowered;
	[smem:$0x3FD2] =	sst s26  }
0x1e: {  	s4 =	sshll.u32 s27, $0x1;
	_ =	strace $0x80000049;
	[dreg:$0x1] =	wrdreg $0xFFFFFFFF  }
0x1f: {  	s28 =	simm.s32 $_size_execute0_lowered;
	s1 =	sadd.s32 s1, s4;
	[dreg:$0x0] =	wrdreg $0x0  }
0x20: {  	s4 =	sshll.u32 s28, $0x1;
	[dreg:$0x2] =	wrdreg s1  }
0x21: {  	[dreg:$0x3] =	wrdreg s4  }
0x22: {  	[dreg:$0x4] =	wrdreg $0xC0  }
0x23: {  	_ =	task [dreg:s6], $0x5FFFF  }
0x24: {  	[dreg:$0x1] =	wrdreg $0xFFFFFFFF  }
0x25: {  	[dreg:$0x0] =	wrdreg $0x60  }
0x26: {  	[dreg:$0x2] =	wrdreg s25  }
0x27: {  	[dreg:$0x3] =	wrdreg $0x9  }
0x28: {  	_ =	task.clear_ibuf [dreg:s6], $0x4FFFF;
	_ =	strace $0x90000049  }
0x29: {  	s29 =	simm.s32 $0x9;
	_ =	strace $0x8000004B  }
0x2a: {  	_ =	swait.ge [sflag:s29], $0x1  }
0x2b: {  	[sflag:s29] =	ssyncadd.s32 $0xFFFFFFFF  }
0x2c: {  	_ =	strace $0x9000004B  }
0x2d: {  	_ =	sfence  }
0x2e: {  	s30 =	sld [smem:$0x0];
	_ =	sdelay $0x2  }
0x2f: {  	s31 =	sshll.u32 s3, $0xD;
	s3 =	sshrl.u32 s3, $0x2  }
0x30: {  	s2 =	sand.u32 $0x4000, s31;
	s1 =	sadd.s32 s3, s30  }
0x31: {  	s0 =	sor.u32 s2, s0;
	s1 =	sshll.u32 s1, $0x11  }
0x32: {  	s0 =	sor.u32 s1, s0  }
0x33: {  	s0 =	sadd.s32 $0x8F2B, s0  }
0x34: {  	[sflag:s0] =	ssyncadd.remote.s32 $0x1  }
0x35: {  	_ =	sfence.sel $0xFFFF  }
0x36: {  	[dreg:$0x0] =	wrdreg $0xFFFFFFFF;
	(pc) =	sbr.abs _section_cstart, $3  }
0x37: {  	[dreg:$0x1] =	wrdreg $0xFFFFFFFF  }
0x38: {  	_ =	task.clear_ibuf [dreg:s6], $0x2FFFF;
	_ =	strace $0x9FFFFFFF  }
0x39: {  	(tm) =	ssettm $0x7FFFFFFF  }
tec
execute0_lowered:
.L_overlay_start_1:
0x0: {  	(tag) =	ssettag $0x1  }
0x1: {  	s0 =	stileid.u32  }
0x2: {  	s1 =	srdreg.scid;
	s7 =	rddreg [dreg:$0x0];
	s31 =	simm.s32 $0x2  }
0x3: {  	s16 =	simm.s32 $0x0;
	p0 =	por $0x0, $0x0;
	s9 =	simm.s32 $0x800  }
0x4: {  	s15 =	simm.s32 $0x0;
	s10 =	simm.s32 $0x0;
	s11 =	simm.s32 $0x0  }
0x5: {  	s2 =	sshll.u32 s0, $0x7;
	s3 =	sshll.u32 s0, $0x6;
	s1 =	sshll.u32 s1, $0xA  }
0x6: {  	s14 =	simm.s32 $0x0;
	s2 =	sand.u32 $0x80, s2;
	s1 =	sor.u32 s3, s1  }
0x7: {  	s3 =	sand.u32 $0x780, s1;
	s4 =	ssub.s32 $0x100, s2;
	s1 =	rddreg [dreg:$0x1]  }
0x8: {  	s5 =	sshrl.u32 s4, $0x7;
	s6 =	ssub.s32 $0xC300, s3;
	s4 =	sshrl.u32 s4, $0x8  }
.Ltmp0:
0x9: {  	s5 =	sand.u32 $0x1, s5;
	s6 =	sshrl.u32 s6, $0xB;
	(pc) =	sbr.rel .LBB1_1-.Ltmp0, $4  }
0xa: {  	_ =	strace $0x8000004A;
	s8 =	sadd.s32 s4, s5;
	s6 =	sadd.s32 $0x1, s6  }
0xb: {  	s13 =	smov.u32 s2;
	s5 =	simm.s32 $0x1;
	s6 =	smul.u32 s8, s6  }
0xc: {  	s12 =	smov.u32 s3;
	s4 =	sadd.s32 $0x2200, s7;
	[sflag:s5] =	ssyncpa.u1 $0x0  }
0xd: {  	s7 =	sadd.s32 $0x189200, s7;
	[sflag:s31] =	ssyncpa.u1 $0x0;
	s8 =	sadd.s32 $0x1, s6  }
.LBB1_4:
0xe: {  	s21 =	sshra.s32 s21, $0x2;
	s22 =	sshll.u32 s10, $0x8  }
0xf: {  	s23 =	sshll.u32 s11, $0x3;
	s24 =	sshll.u32 s10, $0x7;
	s27 =	sand.u32 $0x78, s11  }
0x10: {  	p1 =	sgt.s32 s10, $0xC2D0;
	s22 =	sand.u32 $0xFFFFF800, s22;
	s23 =	sand.u32 $0xFFFFFC00, s23  }
0x11: {  	s20 =	sadd.s32 s21, s20;
	s26 =	sand.u32 $0x300, s24;
	s28 =	sand.u32 $0x80, s24  }
0x12: {  	v5 =	vld [tilespmem:s18+$0xFFFFFFD0];
	[tilespmem:s19+$0x2040 ss:$0x81] =	vst.msk $0xffff, v4;
	s25 =	sadd.s32 s23, s22;
	s22 =	sor.u32 s27, s28;
	s23 =	smov.u32 s10  }
0x13: {  	v58 =	vld [tilespmem:s18+$0xFFFFFFE0];
	[tilespmem:s19+$0x2850 ss:$0x81] =	vst.msk $0xffff, v3;
	s21 =	sor.u32 s26, s25;
	s23 =	simm.s32 @!p1 $0xC2D0;
	s25 =	sshra.s32 s10, $0x1F  }
0x14: {  	v59 =	vld [tilespmem:s18+$0xFFFFFFF0];
	[tilespmem:s19+$0x3060 ss:$0x81] =	vst.msk $0xffff, v2;
	p1 =	sgt.s32 s11, $0x80;
	s26 =	sshra.s32 s11, $0x1F;
	s21 =	sshrl.u32 s21, $0x8  }
0x15: {  	v60 =	vld [tilespmem:s18+$0x0];
	[tilespmem:s19+$0x0 ss:$0x81] =	vst.msk $0xffff, v1;
	s30 =	sand.u32 s25, s10;
	s25 =	smov.u32 s11;
	s31 =	sand.u32 s26, s11  }
0x16: {  	v61 =	vld [tilespmem:s18+$0x10];
	[tilespmem:s20+$0x3870 ss:$0x81] =	vst.msk $0xffff, v0;
	s29 =	smulhi.u32 $0x14F8B59, s21;
	s19 =	ssub.s32 s23, s30;
	s25 =	simm.s32 @!p1 $0x80  }
0x17: {  	v62 =	vld [tilespmem:s18+$0x20];
	[tilespmem:s20+$0x810 ss:$0x81] =	vst.msk $0xffff, v5;
	s23 =	ssub.s32 s25, s31;
	s26 =	sadd.s32 $0xFFFF3D30, s19;
	s19 =	ssub.s32 $0xC350, s19  }
0x18: {  	v63 =	vld [tilespmem:s18+$0xFFFFFFC0];
	[tilespmem:s20+$0x1020 ss:$0x81] =	vst.msk $0xffff, v58;
	s24 =	sshrl.u32 s29, $0x8;
	p1 =	sgt.s32 s26, $0x7F;
	s28 =	sadd.s32 $0xFFFFFF80, s23  }
0x19: {  	[tilespmem:s20+$0x1830 ss:$0x81] =	vst.msk $0xffff, v59;
	s23 =	ssub.s32 $0x100, s23;
	s27 =	smul.u32 $0xC350, s24;
	p2 =	sgt.s32 s28, $0x7F  }
0x1a: {  	[tilespmem:s20+$0x2040 ss:$0x81] =	vst.msk $0xffff, v60;
	s30 =	sand.u32 $0x7, s11;
	s19 =	simm.s32 @p1 $0x0;
	s23 =	simm.s32 @p2 $0x0  }
0x1b: {  	[tilespmem:s20+$0x2850 ss:$0x81] =	vst.msk $0xffff, v61;
	s29 =	sshrl.u32 s22, $0x3;
	s18 =	ssub.s32 s21, s27;
	s19 =	smul.u32 s23, s19  }
0x1c: {  	[tilespmem:s20+$0x3060 ss:$0x81] =	vst.msk $0xffff, v62;
	s22 =	sshll.u32 s30, $0x12;
	s21 =	sadd.s32 s7, s29;
	s18 =	sshll.u32 s18, $0x5  }
0x1d: {  	[tilespmem:s20+$0x0 ss:$0x81] =	vst.msk $0xffff, v63;
	s31 =	sor.u32 $0x400, s22;
	s19 =	sand.u32 $0x3FFFFFFF, s19;
	s18 =	sadd.s32 s18, s21  }
0x1e: {  	[hbm4b:s18+s31] =	stream.strided.scatter [tilespmem:s17], [sflag:$0x2], s19, s9, s31, $0x20;
	[tilespmem:$0x10100] =	vst v63  }
.LBB1_5:
0x1f: {  	p1 =	slt.u32 s14, $0x2  }
0x20: {  	s18 =	smov.u32 s16;
	p2 =	sgt.s32 @!p1 s16, $0xC2D0;
	s17 =	sshra.s32 @!p1 s16, $0x1F  }
0x21: {  	p3 =	sgt.s32 @!p1 s15, $0x80;
	s19 =	sshra.s32 @!p1 s15, $0x1F;
	p2 =	por !p2, p1  }
0x22: {  	s16 =	sand.u32 @!p1 s17, s16;
	p3 =	por !p3, p1;
	s17 =	smov.u32 s15  }
0x23: {  	s15 =	sand.u32 @!p1 s19, s15;
	s18 =	simm.s32 @p2 $0xC2D0;
	s17 =	simm.s32 @p3 $0x80  }
0x24: {  	s16 =	ssub.s32 @!p1 s18, s16;
	s15 =	ssub.s32 @!p1 s17, s15  }
0x25: {  	s19 =	smov.u32 s13;
	s17 =	sadd.s32 @!p1 $0xFFFF3D30, s16;
	s18 =	sadd.s32 @!p1 $0xFFFFFF80, s15  }
0x26: {  	s16 =	ssub.s32 @!p1 $0xC350, s16;
	p2 =	sgt.s32 @!p1 s17, $0x7F;
	p3 =	sgt.s32 @!p1 s18, $0x7F  }
0x27: {  	s15 =	ssub.s32 @!p1 $0x100, s15;
	p2 =	por !p2, p1;
	p3 =	por !p3, p1  }
0x28: {  	s17 =	sadd.s32 $0x800, s12;
	s16 =	simm.s32 @!p2 $0x0;
	s15 =	simm.s32 @!p3 $0x0  }
0x29: {  	p2 =	sgt.s32 s17, $0xC34F;
	s15 =	smul.u32 @!p1 s15, s16;
	s16 =	sadd.s32 $0x100, s13  }
0x2a: {  	s19 =	smov.u32 @p2 s16  }
0x2b: {  	s17 =	smov.u32 @p2 s3;
	p2 =	sgt.s32 s19, $0xFF  }
0x2c: {  	s19 =	smov.u32 @p2 s2;
	p2 =	sne.s32 s14, s8  }
.Ltmp1:
0x2d: {  	p0 =	por !p0, !p0;
	s18 =	simm.s32 @!p1 $0x2;
	(pc) =	sbr.rel @!p2 .LBB1_6-.Ltmp1, $4  }
0x2e: {  	s16 =	smov.u32 s10;
	s10 =	smov.u32 s12;
	s15 =	sand.u32 @!p1 $0x3FFFFFFF, s15  }
0x2f: {  	s12 =	smov.u32 s17;
	_ =	swait.ge @!p1 [sflag:s18], s15;
	s20 =	ssub.s32 @!p1 $0x0, s15  }
0x30: {  	s15 =	smov.u32 s11;
	s14 =	sadd.s32 $0x1, s14;
	[sflag:s18] =	ssyncset.done @!p1 $0x0  }
0x31: {  	s11 =	smov.u32 s13;
	s13 =	smov.u32 s19;
	[sflag:s18] =	ssyncadd.s32 @!p1 s20  }
.LBB1_1:
0x32: {  	p1 =	sge.u32 s14, s6  }
0x33: {  	s17 =	sshrl.u32 @!p1 s13, $0x3  }
0x34: {  	s18 =	sshll.u32 @!p1 s12, $0x3;
	s17 =	smul.u32 @!p1 $0x61C00, s17  }
0x35: {  	s19 =	sshll.u32 @!p1 s13, $0x7;
	s18 =	sand.u32 @!p1 $0xFFFFFC00, s18  }
0x36: {  	s17 =	sadd.s32 @!p1 s17, s18;
	s18 =	sand.u32 @!p1 $0x380, s19  }
0x37: {  	s19 =	sand.u32 @!p1 $0x7F, s12;
	s17 =	sor.u32 @!p1 s18, s17  }
0x38: {  	s18 =	sor.u32 @!p1 s19, s17  }
0x39: {  	s19 =	smulhi.u32 @!p1 $0xA79C7B17, s18;
	_ =	sdelay $0x1  }
0x3a: {  	s17 =	smulhi.u32 @!p1 $0xA79C7B17, s17;
	s19 =	sshrl.u32 @!p1 s19, $0xF  }
0x3b: {  	s19 =	smul.u32 @!p1 $0xC380, s19  }
0x3c: {  	s31 =	sadd.s32 $0xFFFFFFFF, s14;
	s20 =	sxor.u32 @!p1 $0xFFFFFFFF, s14;
	s17 =	sshrl.u32 @!p1 s17, $0xF  }
0x3d: {  	s20 =	sshll.u32 @!p1 s20, $0xE;
	s17 =	sand.u32 @!p1 $0xFF, s17;
	s18 =	ssub.s32 @!p1 s18, s19  }
0x3e: {  	s17 =	smul.u32 @!p1 $0x1870, s17;
	s19 =	sshrl.u32 @!p1 s18, $0x3;
	s18 =	sand.u32 @!p1 $0x7, s18  }
0x3f: {  	s20 =	sand.u32 @!p1 $0x4000, s20;
	s19 =	sadd.s32 @!p1 s4, s19;
	s18 =	sshll.u32 @!p1 s18, $0x12  }
0x40: {  	s17 =	sadd.s32 @!p1 s17, s19;
	s18 =	sor.u32 @!p1 $0x400, s18;
	s19 =	simm.s32 @!p1 $0x61C00  }
0x41: {  	[tilespmem:s20], [sflag:$0x1] =	stream.strided.gather @!p1 [hbm4b:s17+s18], $0x4000, s19, s18, $0x38;
	[tilespmem:$0x10100] =	vst v63  }
0x42: {  	p1 =	sge.u32 s31, s6  }
.Ltmp2:
0x43: {  	_ = 	snop;
	(pc) =	sbr.rel @p1 .LBB1_5-.Ltmp2, $1  }
0x44: {  	_ =	sdelay $0x3  }
0x45: {  	s17 =	simm.s32 $0x1  }
0x46: {  	_ =	swait.ge [sflag:s5], $0x4000;
	s17 =	simm.s32 @!p0 $0x0  }
0x47: {  	[sflag:s5] =	ssyncset.done $0x0;
	s18 =	sshll.u32 s17, $0xE  }
0x48: {  	[sflag:s5] =	ssyncadd.s32 $0xFFFFC000;
	s18 =	sor.u32 $0x40, s18  }
0x49: {  	s17 =	smul.u32 $0x10200, s17;
	v0 =	vld [tilespmem:s18+$0x30]  }
0x4a: {  	v1 =	vld [tilespmem:s18+$0xFFFFFFD0]  }
0x4b: {  	s17 =	sshrl.u32 s17, $0x2;
	v5 =	vld [tilespmem:s18+$0xFFFFFFE0]  }
0x4c: {  	v6 =	vld [tilespmem:s18+$0xFFFFFFF0];
	s20 =	sor.u32 $0x8000, s17  }
0x4d: {  	s31 =	sand.u32 $0x1, s14;
	v4 =	vld [tilespmem:s18+$0x0];
	s19 =	sadd.s32 $0x0, s20  }
0x4e: {  	v3 =	vld [tilespmem:s18+$0x10];
	s17 =	smul.u32 $0x10200, s31;
	[tilespmem:s19+$0x3870 ss:$0x81] =	vst.msk $0xffff, v0  }
0x4f: {  	v2 =	vld [tilespmem:s18+$0x20];
	[tilespmem:s19+$0x810 ss:$0x81] =	vst.msk $0xffff, v1  }
0x50: {  	s17 =	sshrl.u32 s17, $0x2;
	v1 =	vld [tilespmem:s18+$0xFFFFFFC0];
	[tilespmem:s19+$0x1020 ss:$0x81] =	vst.msk $0xffff, v5;
	s18 =	sadd.s32 $0x80, s18  }
0x51: {  	s21 =	simm.s32 $0x4;
	s22 =	simm.s32 $0x8;
	s17 =	sor.u32 $0x8000, s17;
	[tilespmem:s19+$0x1830 ss:$0x81] =	vst.msk $0xffff, v6;
	v0 =	vld [tilespmem:s18+$0x30]  }
.LBB1_3:
0x52: {  	p1 =	sne.s32 s22, $0x1FC;
	v5 =	vld [tilespmem:s18+$0xFFFFFFD0];
	[tilespmem:s19+$0x2040 ss:$0x81] =	vst.msk $0xffff, v4  }
0x53: {  	v6 =	vld [tilespmem:s18+$0xFFFFFFE0];
	[tilespmem:s19+$0x2850 ss:$0x81] =	vst.msk $0xffff, v3  }
0x54: {  	s23 =	sshra.s32 s21, $0x2;
	s21 =	smov.u32 s22;
	v7 =	vld [tilespmem:s18+$0xFFFFFFF0];
	[tilespmem:s19+$0x3060 ss:$0x81] =	vst.msk $0xffff, v2  }
.Ltmp3:
0x55: {  	v4 =	vld [tilespmem:s18+$0x0];
	[tilespmem:s19+$0x0 ss:$0x81] =	vst.msk $0xffff, v1;
	s19 =	sadd.s32 s23, s20;
	(pc) =	sbr.rel @p1 .LBB1_3-.Ltmp3, $4  }
0x56: {  	v3 =	vld [tilespmem:s18+$0x10];
	[tilespmem:s19+$0x3870 ss:$0x81] =	vst.msk $0xffff, v0  }
0x57: {  	[tilespmem:s19+$0x810 ss:$0x81] =	vst.msk $0xffff, v5;
	v2 =	vld [tilespmem:s18+$0x20]  }
0x58: {  	v1 =	vld [tilespmem:s18+$0xFFFFFFC0];
	[tilespmem:s19+$0x1020 ss:$0x81] =	vst.msk $0xffff, v6;
	s18 =	sadd.s32 $0x80, s18  }
0x59: {  	s22 =	sadd.s32 $0x4, s22;
	v0 =	vld [tilespmem:s18+$0x30];
	[tilespmem:s19+$0x1830 ss:$0x81] =	vst.msk $0xffff, v7  }
.Ltmp4:
0x5a: {  	_ = 	snop;
	(pc) =	sbr.rel .LBB1_4-.Ltmp4, $1  }
0x5b: {  	_ =	sdelay $0x3  }
.LBB1_6:
0x5c: {  	_ =	sfence.sel $0x180000  }
0x5d: {  	s2 =	simm.s32 $0x1;
	[bflag:$0x0] =	sbarrier.arrive $0xFFFF  }
0x5e: {  	s31 =	simm.s32 $0x2;
	[sflag:s2] =	ssyncpa.u1 $0x1  }
0x5f: {  	[sflag:s31] =	ssyncpa.u1 $0x1  }
0x60: {  	p0 =	sne.s32 s0, $0x0;
	_ =	strace $0x9000004A  }
0x61: {  	s0 =	sadd.s32 @!p0 $0x100000, s1;
	[bflag:$0x2] =	sbarrier.arrive $0xFFFF  }
0x62: {  	[sflag:s0] =	ssyncadd.tile.s32 @!p0 $0x1;
	_ =	shalt  }
.Lfunc_end1:
_tile_overlayer_lowered:
.L_overlay_start_2:
0x63: {  	(tag) =	ssettag $0x2  }
0x64: {  	s0 =	rddreg [dreg:$0x0];
	s2 =	stileid.u32  }
0x65: {  	s1 =	rddreg [dreg:$0x1];
	p0 =	sne.s32 s2, $0x0  }
0x66: {  	s3 =	rddreg [dreg:$0x2];
	[bflag:$0x3] =	sbarrier.arrive $0xFFFF;
	s2 =	simm.s32 @!p0 $0x1C01  }
0x67: {  	[timem:s3], [sflag:s2] =	dma.local @!p0 [hbm:s0], s1  }
0x68: {  	s0 =	simm.s32 @!p0 $0x1  }
0x69: {  	_ =	swait.ge @!p0 [sflag:s0], s1  }
0x6a: {  	s1 =	ssub.s32 @!p0 $0x0, s1;
	[sflag:s0] =	ssyncset.done @!p0 $0x0  }
0x6b: {  	[sflag:s0] =	ssyncadd.s32 @!p0 s1  }
0x6c: {  	[bflag:$0x3] =	sbarrier.arrive $0xFFFF  }
0x6d: {  	_ =	shalt  }

</sc_bundles>
